<compile_context>
chip_gen: v7x
topology: tpu7x:2x2x1
jax: 0.10.2.dev20260603
libtpu: 0.0.44.dev20260713+nightly
codegen_flags: <defaults>
</compile_context>

<pallas_src>
import functools

import jax
import jax.numpy as jnp
from jax import lax
from jax.experimental import pallas as pl
from jax.experimental.pallas import tpu as pltpu
from jax.experimental.pallas import tpu_sc as plsc

VOCAB = 100000
EMB_DIM = 64
BATCH = 1024
N_BLK = 2048


@functools.lru_cache(maxsize=None)
def _make_gather():
    info = plsc.get_sparse_core_info()
    nc, ns = info.num_cores, info.num_subcores
    nw = nc * ns
    b_per_w = BATCH // nw
    p_per_w = b_per_w // 2
    mesh = plsc.VectorSubcoreMesh(core_axis_name="c", subcore_axis_name="s")

    @functools.partial(
        pl.kernel,
        mesh=mesh,
        out_type=jax.ShapeDtypeStruct((BATCH // 2, 2 * EMB_DIM), jnp.float32),
        scratch_types=[
            pltpu.VMEM((b_per_w,), jnp.int32),
            pltpu.VMEM((b_per_w, 2 * EMB_DIM), jnp.float32),
            pltpu.VMEM((p_per_w, 2 * EMB_DIM), jnp.float32),
            pltpu.SemaphoreType.DMA,
        ],
        compiler_params=pltpu.CompilerParams(
            use_tc_tiling_on_sc=True, needs_layout_passes=False),
    )
    def gather_kernel(tbl_hbm, idx_hbm, out_hbm, idx_v, rows_v,
                      sel_v, sem):
        wid = lax.axis_index("s") * nc + lax.axis_index("c")
        base = wid * b_per_w
        pltpu.sync_copy(idx_hbm.at[pl.ds(base, b_per_w)], idx_v)
        pltpu.async_copy(tbl_hbm.at[idx_v], rows_v, sem).wait()
        iota = lax.iota(jnp.int32, 16)
        for j0 in range(0, b_per_w, 16):
            jv = iota + j0
            dst_row = lax.shift_right_logical(jv, 1)
            dst_col0 = (jv & 1) * EMB_DIM
            for c in range(EMB_DIM):
                val = plsc.load_gather(rows_v, [jv, iota * 0 + c])
                plsc.store_scatter(sel_v, [dst_row, dst_col0 + c], val)
        pltpu.sync_copy(sel_v, out_hbm.at[pl.ds(wid * p_per_w, p_per_w)])

    return gather_kernel


def _gather(indices, embedding_weight):
    tbl = jnp.pad(embedding_weight, ((0, 0), (0, EMB_DIM)))
    packed = _make_gather()(tbl, indices)
    return packed.reshape(BATCH, EMB_DIM)


def _matmul_block(wt_ref, emb_ref, out_ref):
    wt = wt_ref[...].astype(jnp.bfloat16)
    e = emb_ref[...].astype(jnp.bfloat16)
    out_ref[...] = lax.dot_general(
        wt, e, (((0,), (1,)), ((), ())), preferred_element_type=jnp.float32)


def _project(emb, emb2vocab_weight, interpret=False):
    out_t = pl.pallas_call(
        _matmul_block,
        grid=(pl.cdiv(VOCAB, N_BLK),),
        in_specs=[
            pl.BlockSpec((EMB_DIM, N_BLK), lambda i: (0, i)),
            pl.BlockSpec((BATCH, EMB_DIM), lambda i: (0, 0)),
        ],
        out_specs=pl.BlockSpec((N_BLK, BATCH), lambda i: (i, 0)),
        out_shape=jax.ShapeDtypeStruct((VOCAB, BATCH), jnp.float32),
        compiler_params=pltpu.CompilerParams(
            vmem_limit_bytes=100 * 1024 * 1024,
        ),
        interpret=interpret,
    )(emb2vocab_weight.T, emb)
    return out_t.T


def kernel(indices, embedding_weight, emb2vocab_weight):
    emb = _gather(indices, embedding_weight)
    return _project(emb, emb2vocab_weight)

# --- scband reference (transcript-rebuilt; emitter-appended) ---
"""Pipeline reference for scband-vocab-25099788878341 (READ-ONLY COPY).

The authoritative reference and input builder live on the scoring server;
editing this copy changes nothing except your own understanding.
"""

import jax, jax.numpy as jnp
import numpy as np

VOCAB = 100000
EMB_DIM = 64
BATCH = 1024

def setup_inputs(seed: int = 0) -> dict:
    key = jax.random.key(seed)
    k1, k2, k3 = jax.random.split(key, 3)
    indices = jax.random.randint(k1, (BATCH,), 0, VOCAB, dtype=jnp.int32)
    embedding_weight = jax.random.normal(k2, (VOCAB, EMB_DIM), dtype=jnp.float32) * 0.02
    emb2vocab_weight = jax.random.normal(k3, (VOCAB, EMB_DIM), dtype=jnp.float32) * 0.02
    return {
        "indices": indices,
        "embedding_weight": embedding_weight,
        "emb2vocab_weight": emb2vocab_weight,
    }

def reference(indices, embedding_weight, emb2vocab_weight):
    # Vocab module usage: embedding lookup (nn.Embedding) followed by
    # projection back to vocabulary logits (nn.Linear emb2vocab, bias=False).
    emb = jnp.take(embedding_weight, indices, axis=0)        # [B, emb_dim] gather
    logits = emb @ emb2vocab_weight.T                        # [B, vocab]
    return logits

if __name__ == "__main__":
    import jax
    _d = setup_inputs()
    print(jax.jit(kernel)(*tuple(_d.values())))

</pallas_src>

<mosaic_0001>
#map = affine_map<(d0, d1) -> (0, 0)>
#map1 = affine_map<(d0, d1) -> (0)>
module attributes {stable_mosaic.version = 14 : i64} {
  func.func @gather_kernel(%arg0: i32, %arg1: i32, %arg2: memref<100000x128xf32, #tpu.memory_space<hbm>>, %arg3: memref<1024xi32, #tpu.memory_space<hbm>>, %arg4: memref<512x128xf32, #tpu.memory_space<hbm>>, %arg5: memref<32xi32, #tpu.memory_space<vmem>>, %arg6: memref<32x128xf32, #tpu.memory_space<vmem>>, %arg7: memref<16x128xf32, #tpu.memory_space<vmem>>, %arg8: memref<!tpu.dma_semaphore, #tpu.memory_space<semaphore_mem>>) attributes {dimension_semantics = [#tpu.dimension_semantics<core_parallel>, #tpu.dimension_semantics<subcore_parallel>], iteration_bounds = array<i64: 2, 16>, scalar_prefetch = 0 : i64, scratch_operands = 4 : i64, tpu.core_type = #tpu.core_type<sc_vector_subcore>, window_params = [{transform_indices = #map}, {transform_indices = #map1}, {transform_indices = #map}]} {
    %mul3A = arith.constant 2 : i32
    %mul3A_0 = arith.muli %arg1, %mul3A : i32
    %add3A = arith.addi %mul3A_0, %arg0 : i32
    %mul3A_1 = arith.constant 32 : i32
    %mul3A_2 = arith.muli %add3A, %mul3A_1 : i32
    "tpu.region"() ({
      %run_scoped3A = tpu.sem_alloc : memref<!tpu.dma_semaphore, #tpu.memory_space<semaphore_mem>>
      %dma_start3A_1310 = tpu.memref_slice %arg3[%mul3A_2] : memref<1024xi32, #tpu.memory_space<hbm>> -> memref<32xi32, #tpu.memory_space<hbm>>
      %dma_start3A_1311 = tpu.memref_slice %arg3[%mul3A_2] : memref<1024xi32, #tpu.memory_space<hbm>> -> memref<32xi32, #tpu.memory_space<hbm>>
      tpu.enqueue_dma source(%dma_start3A_1311 : memref<32xi32, #tpu.memory_space<hbm>>) target(%arg5 : memref<32xi32, #tpu.memory_space<vmem>>) target_semaphore(%run_scoped3A : memref<!tpu.dma_semaphore, #tpu.memory_space<semaphore_mem>>)
      %dma_wait3A_1312 = tpu.memref_slice %arg3[%mul3A_2] : memref<1024xi32, #tpu.memory_space<hbm>> -> memref<32xi32, #tpu.memory_space<hbm>>
      %dma_wait3A_1313 = tpu.memref_slice %arg3[%mul3A_2] : memref<1024xi32, #tpu.memory_space<hbm>> -> memref<32xi32, #tpu.memory_space<hbm>>
      tpu.wait_dma2 semaphore(%run_scoped3A : memref<!tpu.dma_semaphore, #tpu.memory_space<semaphore_mem>>) src(%dma_wait3A_1313 : memref<32xi32, #tpu.memory_space<hbm>>) dst(%arg5 : memref<32xi32, #tpu.memory_space<vmem>>)
      tpu.yield
    }) : () -> ()
    %dma_start3A = arith.constant 0 : i32
    %dma_start3A_3 = arith.constant 0 : i32
    %dma_start3A_4 = tpu.memref_slice %arg2[%dma_start3A, %dma_start3A_3] : memref<100000x128xf32, #tpu.memory_space<hbm>> -> memref<100000x128xf32, #tpu.memory_space<hbm>>
    tpu.enqueue_indirect_dma source(%dma_start3A_4 : memref<100000x128xf32, #tpu.memory_space<hbm>>) target(%arg6 : memref<32x128xf32, #tpu.memory_space<vmem>>) offsets(%arg5 : memref<32xi32, #tpu.memory_space<vmem>>) semaphore(%arg8 : memref<!tpu.dma_semaphore, #tpu.memory_space<semaphore_mem>>)
    %dma_wait3A = arith.constant 0 : i32
    %dma_wait3A_5 = arith.constant 0 : i32
    %dma_wait3A_6 = tpu.memref_slice %arg2[%dma_wait3A, %dma_wait3A_5] : memref<100000x128xf32, #tpu.memory_space<hbm>> -> memref<100000x128xf32, #tpu.memory_space<hbm>>
    tpu.wait_indirect_dma semaphore(%arg8 : memref<!tpu.dma_semaphore, #tpu.memory_space<semaphore_mem>>) src(%dma_wait3A_6 : memref<100000x128xf32, #tpu.memory_space<hbm>>) dst(%arg6 : memref<32x128xf32, #tpu.memory_space<vmem>>)
    %iota3A = tpu.iota {dimensions = array<i32: 0>} : vector<16xi32>
    %add3A_7 = arith.constant 0 : i32
    %add3A_8 = vector.broadcast %add3A_7 : i32 to vector<16xi32>
    %add3A_9 = arith.addi %iota3A, %add3A_8 : vector<16xi32>
    %shift_right_logical3A = arith.constant 1 : i32
    %shift_right_logical3A_10 = vector.broadcast %shift_right_logical3A : i32 to vector<16xi32>
    %shift_right_logical3A_11 = arith.shrui %add3A_9, %shift_right_logical3A_10 : vector<16xi32>
    %and3A = arith.constant 1 : i32
    %and3A_12 = vector.broadcast %and3A : i32 to vector<16xi32>
    %and3A_13 = arith.andi %add3A_9, %and3A_12 : vector<16xi32>
    %mul3A_14 = arith.constant 64 : i32
    %mul3A_15 = vector.broadcast %mul3A_14 : i32 to vector<16xi32>
    %mul3A_16 = arith.muli %and3A_13, %mul3A_15 : vector<16xi32>
    %mul3A_17 = arith.constant 0 : i32
    %mul3A_18 = vector.broadcast %mul3A_17 : i32 to vector<16xi32>
    %mul3A_19 = arith.muli %iota3A, %mul3A_18 : vector<16xi32>
    %add3A_20 = arith.constant 0 : i32
    %add3A_21 = vector.broadcast %add3A_20 : i32 to vector<16xi32>
    %add3A_22 = arith.addi %mul3A_19, %add3A_21 : vector<16xi32>
    %gather3A = tpu.vector_load_idx %arg6[%add3A_9, %add3A_22] : memref<32x128xf32, #tpu.memory_space<vmem>>[vector<16xi32>, vector<16xi32>], vector<16xf32>,
    %add3A_23 = arith.constant 0 : i32
    %add3A_24 = vector.broadcast %add3A_23 : i32 to vector<16xi32>
    %add3A_25 = arith.addi %mul3A_16, %add3A_24 : vector<16xi32>
    tpu.vector_store_idx %arg7[%shift_right_logical3A_11, %add3A_25], %gather3A : memref<16x128xf32, #tpu.memory_space<vmem>>[vector<16xi32>, vector<16xi32>], vector<16xf32>,
    %mul3A_26 = arith.constant 0 : i32
    %mul3A_27 = vector.broadcast %mul3A_26 : i32 to vector<16xi32>
    %mul3A_28 = arith.muli %iota3A, %mul3A_27 : vector<16xi32>
    %add3A_29 = arith.constant 1 : i32
    %add3A_30 = vector.broadcast %add3A_29 : i32 to vector<16xi32>
    %add3A_31 = arith.addi %mul3A_28, %add3A_30 : vector<16xi32>
    %gather3A_32 = tpu.vector_load_idx %arg6[%add3A_9, %add3A_31] : memref<32x128xf32, #tpu.memory_space<vmem>>[vector<16xi32>, vector<16xi32>], vector<16xf32>,
    %add3A_33 = arith.constant 1 : i32
    %add3A_34 = vector.broadcast %add3A_33 : i32 to vector<16xi32>
    %add3A_35 = arith.addi %mul3A_16, %add3A_34 : vector<16xi32>
    tpu.vector_store_idx %arg7[%shift_right_logical3A_11, %add3A_35], %gather3A_32 : memref<16x128xf32, #tpu.memory_space<vmem>>[vector<16xi32>, vector<16xi32>], vector<16xf32>,
    %mul3A_36 = arith.constant 0 : i32
    %mul3A_37 = vector.broadcast %mul3A_36 : i32 to vector<16xi32>
    %mul3A_38 = arith.muli %iota3A, %mul3A_37 : vector<16xi32>
    %add3A_39 = arith.constant 2 : i32
    %add3A_40 = vector.broadcast %add3A_39 : i32 to vector<16xi32>
    %add3A_41 = arith.addi %mul3A_38, %add3A_40 : vector<16xi32>
    %gather3A_42 = tpu.vector_load_idx %arg6[%add3A_9, %add3A_41] : memref<32x128xf32, #tpu.memory_space<vmem>>[vector<16xi32>, vector<16xi32>], vector<16xf32>,
    %add3A_43 = arith.constant 2 : i32
    %add3A_44 = vector.broadcast %add3A_43 : i32 to vector<16xi32>
    %add3A_45 = arith.addi %mul3A_16, %add3A_44 : vector<16xi32>
    tpu.vector_store_idx %arg7[%shift_right_logical3A_11, %add3A_45], %gather3A_42 : memref<16x128xf32, #tpu.memory_space<vmem>>[vector<16xi32>, vector<16xi32>], vector<16xf32>,
    %mul3A_46 = arith.constant 0 : i32
    %mul3A_47 = vector.broadcast %mul3A_46 : i32 to vector<16xi32>
    %mul3A_48 = arith.muli %iota3A, %mul3A_47 : vector<16xi32>
    %add3A_49 = arith.constant 3 : i32
    %add3A_50 = vector.broadcast %add3A_49 : i32 to vector<16xi32>
    %add3A_51 = arith.addi %mul3A_48, %add3A_50 : vector<16xi32>
    %gather3A_52 = tpu.vector_load_idx %arg6[%add3A_9, %add3A_51] : memref<32x128xf32, #tpu.memory_space<vmem>>[vector<16xi32>, vector<16xi32>], vector<16xf32>,
    %add3A_53 = arith.constant 3 : i32
    %add3A_54 = vector.broadcast %add3A_53 : i32 to vector<16xi32>
    %add3A_55 = arith.addi %mul3A_16, %add3A_54 : vector<16xi32>
    tpu.vector_store_idx %arg7[%shift_right_logical3A_11, %add3A_55], %gather3A_52 : memref<16x128xf32, #tpu.memory_space<vmem>>[vector<16xi32>, vector<16xi32>], vector<16xf32>,
    %mul3A_56 = arith.constant 0 : i32
    %mul3A_57 = vector.broadcast %mul3A_56 : i32 to vector<16xi32>
    %mul3A_58 = arith.muli %iota3A, %mul3A_57 : vector<16xi32>
    %add3A_59 = arith.constant 4 : i32
    %add3A_60 = vector.broadcast %add3A_59 : i32 to vector<16xi32>
    %add3A_61 = arith.addi %mul3A_58, %add3A_60 : vector<16xi32>
    %gather3A_62 = tpu.vector_load_idx %arg6[%add3A_9, %add3A_61] : memref<32x128xf32, #tpu.memory_space<vmem>>[vector<16xi32>, vector<16xi32>], vector<16xf32>,
    %add3A_63 = arith.constant 4 : i32
    %add3A_64 = vector.broadcast %add3A_63 : i32 to vector<16xi32>
    %add3A_65 = arith.addi %mul3A_16, %add3A_64 : vector<16xi32>
    tpu.vector_store_idx %arg7[%shift_right_logical3A_11, %add3A_65], %gather3A_62 : memref<16x128xf32, #tpu.memory_space<vmem>>[vector<16xi32>, vector<16xi32>], vector<16xf32>,
    %mul3A_66 = arith.constant 0 : i32
    %mul3A_67 = vector.broadcast %mul3A_66 : i32 to vector<16xi32>
    %mul3A_68 = arith.muli %iota3A, %mul3A_67 : vector<16xi32>
    %add3A_69 = arith.constant 5 : i32
    %add3A_70 = vector.broadcast %add3A_69 : i32 to vector<16xi32>
    %add3A_71 = arith.addi %mul3A_68, %add3A_70 : vector<16xi32>
    %gather3A_72 = tpu.vector_load_idx %arg6[%add3A_9, %add3A_71] : memref<32x128xf32, #tpu.memory_space<vmem>>[vector<16xi32>, vector<16xi32>], vector<16xf32>,
    %add3A_73 = arith.constant 5 : i32
    %add3A_74 = vector.broadcast %add3A_73 : i32 to vector<16xi32>
    %add3A_75 = arith.addi %mul3A_16, %add3A_74 : vector<16xi32>
    tpu.vector_store_idx %arg7[%shift_right_logical3A_11, %add3A_75], %gather3A_72 : memref<16x128xf32, #tpu.memory_space<vmem>>[vector<16xi32>, vector<16xi32>], vector<16xf32>,
    %mul3A_76 = arith.constant 0 : i32
    %mul3A_77 = vector.broadcast %mul3A_76 : i32 to vector<16xi32>
    %mul3A_78 = arith.muli %iota3A, %mul3A_77 : vector<16xi32>
    %add3A_79 = arith.constant 6 : i32
    %add3A_80 = vector.broadcast %add3A_79 : i32 to vector<16xi32>
    %add3A_81 = arith.addi %mul3A_78, %add3A_80 : vector<16xi32>
    %gather3A_82 = tpu.vector_load_idx %arg6[%add3A_9, %add3A_81] : memref<32x128xf32, #tpu.memory_space<vmem>>[vector<16xi32>, vector<16xi32>], vector<16xf32>,
    %add3A_83 = arith.constant 6 : i32
    %add3A_84 = vector.broadcast %add3A_83 : i32 to vector<16xi32>
    %add3A_85 = arith.addi %mul3A_16, %add3A_84 : vector<16xi32>
    tpu.vector_store_idx %arg7[%shift_right_logical3A_11, %add3A_85], %gather3A_82 : memref<16x128xf32, #tpu.memory_space<vmem>>[vector<16xi32>, vector<16xi32>], vector<16xf32>,
    %mul3A_86 = arith.constant 0 : i32
    %mul3A_87 = vector.broadcast %mul3A_86 : i32 to vector<16xi32>
    %mul3A_88 = arith.muli %iota3A, %mul3A_87 : vector<16xi32>
    %add3A_89 = arith.constant 7 : i32
    %add3A_90 = vector.broadcast %add3A_89 : i32 to vector<16xi32>
    %add3A_91 = arith.addi %mul3A_88, %add3A_90 : vector<16xi32>
    %gather3A_92 = tpu.vector_load_idx %arg6[%add3A_9, %add3A_91] : memref<32x128xf32, #tpu.memory_space<vmem>>[vector<16xi32>, vector<16xi32>], vector<16xf32>,
    %add3A_93 = arith.constant 7 : i32
    %add3A_94 = vector.broadcast %add3A_93 : i32 to vector<16xi32>
    %add3A_95 = arith.addi %mul3A_16, %add3A_94 : vector<16xi32>
    tpu.vector_store_idx %arg7[%shift_right_logical3A_11, %add3A_95], %gather3A_92 : memref<16x128xf32, #tpu.memory_space<vmem>>[vector<16xi32>, vector<16xi32>], vector<16xf32>,
    %mul3A_96 = arith.constant 0 : i32
    %mul3A_97 = vector.broadcast %mul3A_96 : i32 to vector<16xi32>
    %mul3A_98 = arith.muli %iota3A, %mul3A_97 : vector<16xi32>
    %add3A_99 = arith.constant 8 : i32
    %add3A_100 = vector.broadcast %add3A_99 : i32 to vector<16xi32>
    %add3A_101 = arith.addi %mul3A_98, %add3A_100 : vector<16xi32>
    %gather3A_102 = tpu.vector_load_idx %arg6[%add3A_9, %add3A_101] : memref<32x128xf32, #tpu.memory_space<vmem>>[vector<16xi32>, vector<16xi32>], vector<16xf32>,
    %add3A_103 = arith.constant 8 : i32
    %add3A_104 = vector.broadcast %add3A_103 : i32 to vector<16xi32>
    %add3A_105 = arith.addi %mul3A_16, %add3A_104 : vector<16xi32>
    tpu.vector_store_idx %arg7[%shift_right_logical3A_11, %add3A_105], %gather3A_102 : memref<16x128xf32, #tpu.memory_space<vmem>>[vector<16xi32>, vector<16xi32>], vector<16xf32>,
    %mul3A_106 = arith.constant 0 : i32
    %mul3A_107 = vector.broadcast %mul3A_106 : i32 to vector<16xi32>
    %mul3A_108 = arith.muli %iota3A, %mul3A_107 : vector<16xi32>
    %add3A_109 = arith.constant 9 : i32
    %add3A_110 = vector.broadcast %add3A_109 : i32 to vector<16xi32>
    %add3A_111 = arith.addi %mul3A_108, %add3A_110 : vector<16xi32>
    %gather3A_112 = tpu.vector_load_idx %arg6[%add3A_9, %add3A_111] : memref<32x128xf32, #tpu.memory_space<vmem>>[vector<16xi32>, vector<16xi32>], vector<16xf32>,
    %add3A_113 = arith.constant 9 : i32
    %add3A_114 = vector.broadcast %add3A_113 : i32 to vector<16xi32>
    %add3A_115 = arith.addi %mul3A_16, %add3A_114 : vector<16xi32>
    tpu.vector_store_idx %arg7[%shift_right_logical3A_11, %add3A_115], %gather3A_112 : memref<16x128xf32, #tpu.memory_space<vmem>>[vector<16xi32>, vector<16xi32>], vector<16xf32>,
    %mul3A_116 = arith.constant 0 : i32
    %mul3A_117 = vector.broadcast %mul3A_116 : i32 to vector<16xi32>
    %mul3A_118 = arith.muli %iota3A, %mul3A_117 : vector<16xi32>
    %add3A_119 = arith.constant 10 : i32
    %add3A_120 = vector.broadcast %add3A_119 : i32 to vector<16xi32>
    %add3A_121 = arith.addi %mul3A_118, %add3A_120 : vector<16xi32>
    %gather3A_122 = tpu.vector_load_idx %arg6[%add3A_9, %add3A_121] : memref<32x128xf32, #tpu.memory_space<vmem>>[vector<16xi32>, vector<16xi32>], vector<16xf32>,
    %add3A_123 = arith.constant 10 : i32
    %add3A_124 = vector.broadcast %add3A_123 : i32 to vector<16xi32>
    %add3A_125 = arith.addi %mul3A_16, %add3A_124 : vector<16xi32>
    tpu.vector_store_idx %arg7[%shift_right_logical3A_11, %add3A_125], %gather3A_122 : memref<16x128xf32, #tpu.memory_space<vmem>>[vector<16xi32>, vector<16xi32>], vector<16xf32>,
    %mul3A_126 = arith.constant 0 : i32
    %mul3A_127 = vector.broadcast %mul3A_126 : i32 to vector<16xi32>
    %mul3A_128 = arith.muli %iota3A, %mul3A_127 : vector<16xi32>
    %add3A_129 = arith.constant 11 : i32
    %add3A_130 = vector.broadcast %add3A_129 : i32 to vector<16xi32>
    %add3A_131 = arith.addi %mul3A_128, %add3A_130 : vector<16xi32>
    %gather3A_132 = tpu.vector_load_idx %arg6[%add3A_9, %add3A_131] : memref<32x128xf32, #tpu.memory_space<vmem>>[vector<16xi32>, vector<16xi32>], vector<16xf32>,
    %add3A_133 = arith.constant 11 : i32
    %add3A_134 = vector.broadcast %add3A_133 : i32 to vector<16xi32>
    %add3A_135 = arith.addi %mul3A_16, %add3A_134 : vector<16xi32>
    tpu.vector_store_idx %arg7[%shift_right_logical3A_11, %add3A_135], %gather3A_132 : memref<16x128xf32, #tpu.memory_space<vmem>>[vector<16xi32>, vector<16xi32>], vector<16xf32>,
    %mul3A_136 = arith.constant 0 : i32
    %mul3A_137 = vector.broadcast %mul3A_136 : i32 to vector<16xi32>
    %mul3A_138 = arith.muli %iota3A, %mul3A_137 : vector<16xi32>
    %add3A_139 = arith.constant 12 : i32
    %add3A_140 = vector.broadcast %add3A_139 : i32 to vector<16xi32>
    %add3A_141 = arith.addi %mul3A_138, %add3A_140 : vector<16xi32>
    %gather3A_142 = tpu.vector_load_idx %arg6[%add3A_9, %add3A_141] : memref<32x128xf32, #tpu.memory_space<vmem>>[vector<16xi32>, vector<16xi32>], vector<16xf32>,
    %add3A_143 = arith.constant 12 : i32
    %add3A_144 = vector.broadcast %add3A_143 : i32 to vector<16xi32>
    %add3A_145 = arith.addi %mul3A_16, %add3A_144 : vector<16xi32>
    tpu.vector_store_idx %arg7[%shift_right_logical3A_11, %add3A_145], %gather3A_142 : memref<16x128xf32, #tpu.memory_space<vmem>>[vector<16xi32>, vector<16xi32>], vector<16xf32>,
    %mul3A_146 = arith.constant 0 : i32
    %mul3A_147 = vector.broadcast %mul3A_146 : i32 to vector<16xi32>
    %mul3A_148 = arith.muli %iota3A, %mul3A_147 : vector<16xi32>
    %add3A_149 = arith.constant 13 : i32
    %add3A_150 = vector.broadcast %add3A_149 : i32 to vector<16xi32>
    %add3A_151 = arith.addi %mul3A_148, %add3A_150 : vector<16xi32>
    %gather3A_152 = tpu.vector_load_idx %arg6[%add3A_9, %add3A_151] : memref<32x128xf32, #tpu.memory_space<vmem>>[vector<16xi32>, vector<16xi32>], vector<16xf32>,
    %add3A_153 = arith.constant 13 : i32
    %add3A_154 = vector.broadcast %add3A_153 : i32 to vector<16xi32>
    %add3A_155 = arith.addi %mul3A_16, %add3A_154 : vector<16xi32>
    tpu.vector_store_idx %arg7[%shift_right_logical3A_11, %add3A_155], %gather3A_152 : memref<16x128xf32, #tpu.memory_space<vmem>>[vector<16xi32>, vector<16xi32>], vector<16xf32>,
    %mul3A_156 = arith.constant 0 : i32
    %mul3A_157 = vector.broadcast %mul3A_156 : i32 to vector<16xi32>
    %mul3A_158 = arith.muli %iota3A, %mul3A_157 : vector<16xi32>
    %add3A_159 = arith.constant 14 : i32
    %add3A_160 = vector.broadcast %add3A_159 : i32 to vector<16xi32>
    %add3A_161 = arith.addi %mul3A_158, %add3A_160 : vector<16xi32>
    %gather3A_162 = tpu.vector_load_idx %arg6[%add3A_9, %add3A_161] : memref<32x128xf32, #tpu.memory_space<vmem>>[vector<16xi32>, vector<16xi32>], vector<16xf32>,
    %add3A_163 = arith.constant 14 : i32
    %add3A_164 = vector.broadcast %add3A_163 : i32 to vector<16xi32>
    %add3A_165 = arith.addi %mul3A_16, %add3A_164 : vector<16xi32>
    tpu.vector_store_idx %arg7[%shift_right_logical3A_11, %add3A_165], %gather3A_162 : memref<16x128xf32, #tpu.memory_space<vmem>>[vector<16xi32>, vector<16xi32>], vector<16xf32>,
    %mul3A_166 = arith.constant 0 : i32
    %mul3A_167 = vector.broadcast %mul3A_166 : i32 to vector<16xi32>
    %mul3A_168 = arith.muli %iota3A, %mul3A_167 : vector<16xi32>
    %add3A_169 = arith.constant 15 : i32
    %add3A_170 = vector.broadcast %add3A_169 : i32 to vector<16xi32>
    %add3A_171 = arith.addi %mul3A_168, %add3A_170 : vector<16xi32>
    %gather3A_172 = tpu.vector_load_idx %arg6[%add3A_9, %add3A_171] : memref<32x128xf32, #tpu.memory_space<vmem>>[vector<16xi32>, vector<16xi32>], vector<16xf32>,
    %add3A_173 = arith.constant 15 : i32
    %add3A_174 = vector.broadcast %add3A_173 : i32 to vector<16xi32>
    %add3A_175 = arith.addi %mul3A_16, %add3A_174 : vector<16xi32>
    tpu.vector_store_idx %arg7[%shift_right_logical3A_11, %add3A_175], %gather3A_172 : memref<16x128xf32, #tpu.memory_space<vmem>>[vector<16xi32>, vector<16xi32>], vector<16xf32>,
    %mul3A_176 = arith.constant 0 : i32
    %mul3A_177 = vector.broadcast %mul3A_176 : i32 to vector<16xi32>
    %mul3A_178 = arith.muli %iota3A, %mul3A_177 : vector<16xi32>
    %add3A_179 = arith.constant 16 : i32
    %add3A_180 = vector.broadcast %add3A_179 : i32 to vector<16xi32>
    %add3A_181 = arith.addi %mul3A_178, %add3A_180 : vector<16xi32>
    %gather3A_182 = tpu.vector_load_idx %arg6[%add3A_9, %add3A_181] : memref<32x128xf32, #tpu.memory_space<vmem>>[vector<16xi32>, vector<16xi32>], vector<16xf32>,
    %add3A_183 = arith.constant 16 : i32
    %add3A_184 = vector.broadcast %add3A_183 : i32 to vector<16xi32>
    %add3A_185 = arith.addi %mul3A_16, %add3A_184 : vector<16xi32>
    tpu.vector_store_idx %arg7[%shift_right_logical3A_11, %add3A_185], %gather3A_182 : memref<16x128xf32, #tpu.memory_space<vmem>>[vector<16xi32>, vector<16xi32>], vector<16xf32>,
    %mul3A_186 = arith.constant 0 : i32
    %mul3A_187 = vector.broadcast %mul3A_186 : i32 to vector<16xi32>
    %mul3A_188 = arith.muli %iota3A, %mul3A_187 : vector<16xi32>
    %add3A_189 = arith.constant 17 : i32
    %add3A_190 = vector.broadcast %add3A_189 : i32 to vector<16xi32>
    %add3A_191 = arith.addi %mul3A_188, %add3A_190 : vector<16xi32>
    %gather3A_192 = tpu.vector_load_idx %arg6[%add3A_9, %add3A_191] : memref<32x128xf32, #tpu.memory_space<vmem>>[vector<16xi32>, vector<16xi32>], vector<16xf32>,
    %add3A_193 = arith.constant 17 : i32
    %add3A_194 = vector.broadcast %add3A_193 : i32 to vector<16xi32>
    %add3A_195 = arith.addi %mul3A_16, %add3A_194 : vector<16xi32>
    tpu.vector_store_idx %arg7[%shift_right_logical3A_11, %add3A_195], %gather3A_192 : memref<16x128xf32, #tpu.memory_space<vmem>>[vector<16xi32>, vector<16xi32>], vector<16xf32>,
    %mul3A_196 = arith.constant 0 : i32
    %mul3A_197 = vector.broadcast %mul3A_196 : i32 to vector<16xi32>
    %mul3A_198 = arith.muli %iota3A, %mul3A_197 : vector<16xi32>
    %add3A_199 = arith.constant 18 : i32
    %add3A_200 = vector.broadcast %add3A_199 : i32 to vector<16xi32>
    %add3A_201 = arith.addi %mul3A_198, %add3A_200 : vector<16xi32>
    %gather3A_202 = tpu.vector_load_idx %arg6[%add3A_9, %add3A_201] : memref<32x128xf32, #tpu.memory_space<vmem>>[vector<16xi32>, vector<16xi32>], vector<16xf32>,
    %add3A_203 = arith.constant 18 : i32
    %add3A_204 = vector.broadcast %add3A_203 : i32 to vector<16xi32>
    %add3A_205 = arith.addi %mul3A_16, %add3A_204 : vector<16xi32>
    tpu.vector_store_idx %arg7[%shift_right_logical3A_11, %add3A_205], %gather3A_202 : memref<16x128xf32, #tpu.memory_space<vmem>>[vector<16xi32>, vector<16xi32>], vector<16xf32>,
    %mul3A_206 = arith.constant 0 : i32
    %mul3A_207 = vector.broadcast %mul3A_206 : i32 to vector<16xi32>
    %mul3A_208 = arith.muli %iota3A, %mul3A_207 : vector<16xi32>
    %add3A_209 = arith.constant 19 : i32
    %add3A_210 = vector.broadcast %add3A_209 : i32 to vector<16xi32>
    %add3A_211 = arith.addi %mul3A_208, %add3A_210 : vector<16xi32>
    %gather3A_212 = tpu.vector_load_idx %arg6[%add3A_9, %add3A_211] : memref<32x128xf32, #tpu.memory_space<vmem>>[vector<16xi32>, vector<16xi32>], vector<16xf32>,
    %add3A_213 = arith.constant 19 : i32
    %add3A_214 = vector.broadcast %add3A_213 : i32 to vector<16xi32>
    %add3A_215 = arith.addi %mul3A_16, %add3A_214 : vector<16xi32>
    tpu.vector_store_idx %arg7[%shift_right_logical3A_11, %add3A_215], %gather3A_212 : memref<16x128xf32, #tpu.memory_space<vmem>>[vector<16xi32>, vector<16xi32>], vector<16xf32>,
    %mul3A_216 = arith.constant 0 : i32
    %mul3A_217 = vector.broadcast %mul3A_216 : i32 to vector<16xi32>
    %mul3A_218 = arith.muli %iota3A, %mul3A_217 : vector<16xi32>
    %add3A_219 = arith.constant 20 : i32
    %add3A_220 = vector.broadcast %add3A_219 : i32 to vector<16xi32>
    %add3A_221 = arith.addi %mul3A_218, %add3A_220 : vector<16xi32>
    %gather3A_222 = tpu.vector_load_idx %arg6[%add3A_9, %add3A_221] : memref<32x128xf32, #tpu.memory_space<vmem>>[vector<16xi32>, vector<16xi32>], vector<16xf32>,
    %add3A_223 = arith.constant 20 : i32
    %add3A_224 = vector.broadcast %add3A_223 : i32 to vector<16xi32>
    %add3A_225 = arith.addi %mul3A_16, %add3A_224 : vector<16xi32>
    tpu.vector_store_idx %arg7[%shift_right_logical3A_11, %add3A_225], %gather3A_222 : memref<16x128xf32, #tpu.memory_space<vmem>>[vector<16xi32>, vector<16xi32>], vector<16xf32>,
    %mul3A_226 = arith.constant 0 : i32
    %mul3A_227 = vector.broadcast %mul3A_226 : i32 to vector<16xi32>
    %mul3A_228 = arith.muli %iota3A, %mul3A_227 : vector<16xi32>
    %add3A_229 = arith.constant 21 : i32
    %add3A_230 = vector.broadcast %add3A_229 : i32 to vector<16xi32>
    %add3A_231 = arith.addi %mul3A_228, %add3A_230 : vector<16xi32>
    %gather3A_232 = tpu.vector_load_idx %arg6[%add3A_9, %add3A_231] : memref<32x128xf32, #tpu.memory_space<vmem>>[vector<16xi32>, vector<16xi32>], vector<16xf32>,
    %add3A_233 = arith.constant 21 : i32
    %add3A_234 = vector.broadcast %add3A_233 : i32 to vector<16xi32>
    %add3A_235 = arith.addi %mul3A_16, %add3A_234 : vector<16xi32>
    tpu.vector_store_idx %arg7[%shift_right_logical3A_11, %add3A_235], %gather3A_232 : memref<16x128xf32, #tpu.memory_space<vmem>>[vector<16xi32>, vector<16xi32>], vector<16xf32>,
    %mul3A_236 = arith.constant 0 : i32
    %mul3A_237 = vector.broadcast %mul3A_236 : i32 to vector<16xi32>
    %mul3A_238 = arith.muli %iota3A, %mul3A_237 : vector<16xi32>
    %add3A_239 = arith.constant 22 : i32
    %add3A_240 = vector.broadcast %add3A_239 : i32 to vector<16xi32>
    %add3A_241 = arith.addi %mul3A_238, %add3A_240 : vector<16xi32>
    %gather3A_242 = tpu.vector_load_idx %arg6[%add3A_9, %add3A_241] : memref<32x128xf32, #tpu.memory_space<vmem>>[vector<16xi32>, vector<16xi32>], vector<16xf32>,
    %add3A_243 = arith.constant 22 : i32
    %add3A_244 = vector.broadcast %add3A_243 : i32 to vector<16xi32>
    %add3A_245 = arith.addi %mul3A_16, %add3A_244 : vector<16xi32>
    tpu.vector_store_idx %arg7[%shift_right_logical3A_11, %add3A_245], %gather3A_242 : memref<16x128xf32, #tpu.memory_space<vmem>>[vector<16xi32>, vector<16xi32>], vector<16xf32>,
    %mul3A_246 = arith.constant 0 : i32
    %mul3A_247 = vector.broadcast %mul3A_246 : i32 to vector<16xi32>
    %mul3A_248 = arith.muli %iota3A, %mul3A_247 : vector<16xi32>
    %add3A_249 = arith.constant 23 : i32
    %add3A_250 = vector.broadcast %add3A_249 : i32 to vector<16xi32>
    %add3A_251 = arith.addi %mul3A_248, %add3A_250 : vector<16xi32>
    %gather3A_252 = tpu.vector_load_idx %arg6[%add3A_9, %add3A_251] : memref<32x128xf32, #tpu.memory_space<vmem>>[vector<16xi32>, vector<16xi32>], vector<16xf32>,
    %add3A_253 = arith.constant 23 : i32
    %add3A_254 = vector.broadcast %add3A_253 : i32 to vector<16xi32>
    %add3A_255 = arith.addi %mul3A_16, %add3A_254 : vector<16xi32>
    tpu.vector_store_idx %arg7[%shift_right_logical3A_11, %add3A_255], %gather3A_252 : memref<16x128xf32, #tpu.memory_space<vmem>>[vector<16xi32>, vector<16xi32>], vector<16xf32>,
    %mul3A_256 = arith.constant 0 : i32
    %mul3A_257 = vector.broadcast %mul3A_256 : i32 to vector<16xi32>
    %mul3A_258 = arith.muli %iota3A, %mul3A_257 : vector<16xi32>
    %add3A_259 = arith.constant 24 : i32
    %add3A_260 = vector.broadcast %add3A_259 : i32 to vector<16xi32>
    %add3A_261 = arith.addi %mul3A_258, %add3A_260 : vector<16xi32>
    %gather3A_262 = tpu.vector_load_idx %arg6[%add3A_9, %add3A_261] : memref<32x128xf32, #tpu.memory_space<vmem>>[vector<16xi32>, vector<16xi32>], vector<16xf32>,
    %add3A_263 = arith.constant 24 : i32
    %add3A_264 = vector.broadcast %add3A_263 : i32 to vector<16xi32>
    %add3A_265 = arith.addi %mul3A_16, %add3A_264 : vector<16xi32>
    tpu.vector_store_idx %arg7[%shift_right_logical3A_11, %add3A_265], %gather3A_262 : memref<16x128xf32, #tpu.memory_space<vmem>>[vector<16xi32>, vector<16xi32>], vector<16xf32>,
    %mul3A_266 = arith.constant 0 : i32
    %mul3A_267 = vector.broadcast %mul3A_266 : i32 to vector<16xi32>
    %mul3A_268 = arith.muli %iota3A, %mul3A_267 : vector<16xi32>
    %add3A_269 = arith.constant 25 : i32
    %add3A_270 = vector.broadcast %add3A_269 : i32 to vector<16xi32>
    %add3A_271 = arith.addi %mul3A_268, %add3A_270 : vector<16xi32>
    %gather3A_272 = tpu.vector_load_idx %arg6[%add3A_9, %add3A_271] : memref<32x128xf32, #tpu.memory_space<vmem>>[vector<16xi32>, vector<16xi32>], vector<16xf32>,
    %add3A_273 = arith.constant 25 : i32
    %add3A_274 = vector.broadcast %add3A_273 : i32 to vector<16xi32>
    %add3A_275 = arith.addi %mul3A_16, %add3A_274 : vector<16xi32>
    tpu.vector_store_idx %arg7[%shift_right_logical3A_11, %add3A_275], %gather3A_272 : memref<16x128xf32, #tpu.memory_space<vmem>>[vector<16xi32>, vector<16xi32>], vector<16xf32>,
    %mul3A_276 = arith.constant 0 : i32
    %mul3A_277 = vector.broadcast %mul3A_276 : i32 to vector<16xi32>
    %mul3A_278 = arith.muli %iota3A, %mul3A_277 : vector<16xi32>
    %add3A_279 = arith.constant 26 : i32
    %add3A_280 = vector.broadcast %add3A_279 : i32 to vector<16xi32>
    %add3A_281 = arith.addi %mul3A_278, %add3A_280 : vector<16xi32>
    %gather3A_282 = tpu.vector_load_idx %arg6[%add3A_9, %add3A_281] : memref<32x128xf32, #tpu.memory_space<vmem>>[vector<16xi32>, vector<16xi32>], vector<16xf32>,
    %add3A_283 = arith.constant 26 : i32
    %add3A_284 = vector.broadcast %add3A_283 : i32 to vector<16xi32>
    %add3A_285 = arith.addi %mul3A_16, %add3A_284 : vector<16xi32>
    tpu.vector_store_idx %arg7[%shift_right_logical3A_11, %add3A_285], %gather3A_282 : memref<16x128xf32, #tpu.memory_space<vmem>>[vector<16xi32>, vector<16xi32>], vector<16xf32>,
    %mul3A_286 = arith.constant 0 : i32
    %mul3A_287 = vector.broadcast %mul3A_286 : i32 to vector<16xi32>
    %mul3A_288 = arith.muli %iota3A, %mul3A_287 : vector<16xi32>
    %add3A_289 = arith.constant 27 : i32
    %add3A_290 = vector.broadcast %add3A_289 : i32 to vector<16xi32>
    %add3A_291 = arith.addi %mul3A_288, %add3A_290 : vector<16xi32>
    %gather3A_292 = tpu.vector_load_idx %arg6[%add3A_9, %add3A_291] : memref<32x128xf32, #tpu.memory_space<vmem>>[vector<16xi32>, vector<16xi32>], vector<16xf32>,
    %add3A_293 = arith.constant 27 : i32
    %add3A_294 = vector.broadcast %add3A_293 : i32 to vector<16xi32>
    %add3A_295 = arith.addi %mul3A_16, %add3A_294 : vector<16xi32>
    tpu.vector_store_idx %arg7[%shift_right_logical3A_11, %add3A_295], %gather3A_292 : memref<16x128xf32, #tpu.memory_space<vmem>>[vector<16xi32>, vector<16xi32>], vector<16xf32>,
    %mul3A_296 = arith.constant 0 : i32
    %mul3A_297 = vector.broadcast %mul3A_296 : i32 to vector<16xi32>
    %mul3A_298 = arith.muli %iota3A, %mul3A_297 : vector<16xi32>
    %add3A_299 = arith.constant 28 : i32
    %add3A_300 = vector.broadcast %add3A_299 : i32 to vector<16xi32>
    %add3A_301 = arith.addi %mul3A_298, %add3A_300 : vector<16xi32>
    %gather3A_302 = tpu.vector_load_idx %arg6[%add3A_9, %add3A_301] : memref<32x128xf32, #tpu.memory_space<vmem>>[vector<16xi32>, vector<16xi32>], vector<16xf32>,
    %add3A_303 = arith.constant 28 : i32
    %add3A_304 = vector.broadcast %add3A_303 : i32 to vector<16xi32>
    %add3A_305 = arith.addi %mul3A_16, %add3A_304 : vector<16xi32>
    tpu.vector_store_idx %arg7[%shift_right_logical3A_11, %add3A_305], %gather3A_302 : memref<16x128xf32, #tpu.memory_space<vmem>>[vector<16xi32>, vector<16xi32>], vector<16xf32>,
    %mul3A_306 = arith.constant 0 : i32
    %mul3A_307 = vector.broadcast %mul3A_306 : i32 to vector<16xi32>
    %mul3A_308 = arith.muli %iota3A, %mul3A_307 : vector<16xi32>
    %add3A_309 = arith.constant 29 : i32
    %add3A_310 = vector.broadcast %add3A_309 : i32 to vector<16xi32>
    %add3A_311 = arith.addi %mul3A_308, %add3A_310 : vector<16xi32>
    %gather3A_312 = tpu.vector_load_idx %arg6[%add3A_9, %add3A_311] : memref<32x128xf32, #tpu.memory_space<vmem>>[vector<16xi32>, vector<16xi32>], vector<16xf32>,
    %add3A_313 = arith.constant 29 : i32
    %add3A_314 = vector.broadcast %add3A_313 : i32 to vector<16xi32>
    %add3A_315 = arith.addi %mul3A_16, %add3A_314 : vector<16xi32>
    tpu.vector_store_idx %arg7[%shift_right_logical3A_11, %add3A_315], %gather3A_312 : memref<16x128xf32, #tpu.memory_space<vmem>>[vector<16xi32>, vector<16xi32>], vector<16xf32>,
    %mul3A_316 = arith.constant 0 : i32
    %mul3A_317 = vector.broadcast %mul3A_316 : i32 to vector<16xi32>
    %mul3A_318 = arith.muli %iota3A, %mul3A_317 : vector<16xi32>
    %add3A_319 = arith.constant 30 : i32
    %add3A_320 = vector.broadcast %add3A_319 : i32 to vector<16xi32>
    %add3A_321 = arith.addi %mul3A_318, %add3A_320 : vector<16xi32>
    %gather3A_322 = tpu.vector_load_idx %arg6[%add3A_9, %add3A_321] : memref<32x128xf32, #tpu.memory_space<vmem>>[vector<16xi32>, vector<16xi32>], vector<16xf32>,
    %add3A_323 = arith.constant 30 : i32
    %add3A_324 = vector.broadcast %add3A_323 : i32 to vector<16xi32>
    %add3A_325 = arith.addi %mul3A_16, %add3A_324 : vector<16xi32>
    tpu.vector_store_idx %arg7[%shift_right_logical3A_11, %add3A_325], %gather3A_322 : memref<16x128xf32, #tpu.memory_space<vmem>>[vector<16xi32>, vector<16xi32>], vector<16xf32>,
    %mul3A_326 = arith.constant 0 : i32
    %mul3A_327 = vector.broadcast %mul3A_326 : i32 to vector<16xi32>
    %mul3A_328 = arith.muli %iota3A, %mul3A_327 : vector<16xi32>
    %add3A_329 = arith.constant 31 : i32
    %add3A_330 = vector.broadcast %add3A_329 : i32 to vector<16xi32>
    %add3A_331 = arith.addi %mul3A_328, %add3A_330 : vector<16xi32>
    %gather3A_332 = tpu.vector_load_idx %arg6[%add3A_9, %add3A_331] : memref<32x128xf32, #tpu.memory_space<vmem>>[vector<16xi32>, vector<16xi32>], vector<16xf32>,
    %add3A_333 = arith.constant 31 : i32
    %add3A_334 = vector.broadcast %add3A_333 : i32 to vector<16xi32>
    %add3A_335 = arith.addi %mul3A_16, %add3A_334 : vector<16xi32>
    tpu.vector_store_idx %arg7[%shift_right_logical3A_11, %add3A_335], %gather3A_332 : memref<16x128xf32, #tpu.memory_space<vmem>>[vector<16xi32>, vector<16xi32>], vector<16xf32>,
    %mul3A_336 = arith.constant 0 : i32
    %mul3A_337 = vector.broadcast %mul3A_336 : i32 to vector<16xi32>
    %mul3A_338 = arith.muli %iota3A, %mul3A_337 : vector<16xi32>
    %add3A_339 = arith.constant 32 : i32
    %add3A_340 = vector.broadcast %add3A_339 : i32 to vector<16xi32>
    %add3A_341 = arith.addi %mul3A_338, %add3A_340 : vector<16xi32>
    %gather3A_342 = tpu.vector_load_idx %arg6[%add3A_9, %add3A_341] : memref<32x128xf32, #tpu.memory_space<vmem>>[vector<16xi32>, vector<16xi32>], vector<16xf32>,
    %add3A_343 = arith.constant 32 : i32
    %add3A_344 = vector.broadcast %add3A_343 : i32 to vector<16xi32>
    %add3A_345 = arith.addi %mul3A_16, %add3A_344 : vector<16xi32>
    tpu.vector_store_idx %arg7[%shift_right_logical3A_11, %add3A_345], %gather3A_342 : memref<16x128xf32, #tpu.memory_space<vmem>>[vector<16xi32>, vector<16xi32>], vector<16xf32>,
    %mul3A_346 = arith.constant 0 : i32
    %mul3A_347 = vector.broadcast %mul3A_346 : i32 to vector<16xi32>
    %mul3A_348 = arith.muli %iota3A, %mul3A_347 : vector<16xi32>
    %add3A_349 = arith.constant 33 : i32
    %add3A_350 = vector.broadcast %add3A_349 : i32 to vector<16xi32>
    %add3A_351 = arith.addi %mul3A_348, %add3A_350 : vector<16xi32>
    %gather3A_352 = tpu.vector_load_idx %arg6[%add3A_9, %add3A_351] : memref<32x128xf32, #tpu.memory_space<vmem>>[vector<16xi32>, vector<16xi32>], vector<16xf32>,
    %add3A_353 = arith.constant 33 : i32
    %add3A_354 = vector.broadcast %add3A_353 : i32 to vector<16xi32>
    %add3A_355 = arith.addi %mul3A_16, %add3A_354 : vector<16xi32>
    tpu.vector_store_idx %arg7[%shift_right_logical3A_11, %add3A_355], %gather3A_352 : memref<16x128xf32, #tpu.memory_space<vmem>>[vector<16xi32>, vector<16xi32>], vector<16xf32>,
    %mul3A_356 = arith.constant 0 : i32
    %mul3A_357 = vector.broadcast %mul3A_356 : i32 to vector<16xi32>
    %mul3A_358 = arith.muli %iota3A, %mul3A_357 : vector<16xi32>
    %add3A_359 = arith.constant 34 : i32
    %add3A_360 = vector.broadcast %add3A_359 : i32 to vector<16xi32>
    %add3A_361 = arith.addi %mul3A_358, %add3A_360 : vector<16xi32>
    %gather3A_362 = tpu.vector_load_idx %arg6[%add3A_9, %add3A_361] : memref<32x128xf32, #tpu.memory_space<vmem>>[vector<16xi32>, vector<16xi32>], vector<16xf32>,
    %add3A_363 = arith.constant 34 : i32
    %add3A_364 = vector.broadcast %add3A_363 : i32 to vector<16xi32>
    %add3A_365 = arith.addi %mul3A_16, %add3A_364 : vector<16xi32>
    tpu.vector_store_idx %arg7[%shift_right_logical3A_11, %add3A_365], %gather3A_362 : memref<16x128xf32, #tpu.memory_space<vmem>>[vector<16xi32>, vector<16xi32>], vector<16xf32>,
    %mul3A_366 = arith.constant 0 : i32
    %mul3A_367 = vector.broadcast %mul3A_366 : i32 to vector<16xi32>
    %mul3A_368 = arith.muli %iota3A, %mul3A_367 : vector<16xi32>
    %add3A_369 = arith.constant 35 : i32
    %add3A_370 = vector.broadcast %add3A_369 : i32 to vector<16xi32>
    %add3A_371 = arith.addi %mul3A_368, %add3A_370 : vector<16xi32>
    %gather3A_372 = tpu.vector_load_idx %arg6[%add3A_9, %add3A_371] : memref<32x128xf32, #tpu.memory_space<vmem>>[vector<16xi32>, vector<16xi32>], vector<16xf32>,
    %add3A_373 = arith.constant 35 : i32
    %add3A_374 = vector.broadcast %add3A_373 : i32 to vector<16xi32>
    %add3A_375 = arith.addi %mul3A_16, %add3A_374 : vector<16xi32>
    tpu.vector_store_idx %arg7[%shift_right_logical3A_11, %add3A_375], %gather3A_372 : memref<16x128xf32, #tpu.memory_space<vmem>>[vector<16xi32>, vector<16xi32>], vector<16xf32>,
    %mul3A_376 = arith.constant 0 : i32
    %mul3A_377 = vector.broadcast %mul3A_376 : i32 to vector<16xi32>
    %mul3A_378 = arith.muli %iota3A, %mul3A_377 : vector<16xi32>
    %add3A_379 = arith.constant 36 : i32
    %add3A_380 = vector.broadcast %add3A_379 : i32 to vector<16xi32>
    %add3A_381 = arith.addi %mul3A_378, %add3A_380 : vector<16xi32>
    %gather3A_382 = tpu.vector_load_idx %arg6[%add3A_9, %add3A_381] : memref<32x128xf32, #tpu.memory_space<vmem>>[vector<16xi32>, vector<16xi32>], vector<16xf32>,
    %add3A_383 = arith.constant 36 : i32
    %add3A_384 = vector.broadcast %add3A_383 : i32 to vector<16xi32>
    %add3A_385 = arith.addi %mul3A_16, %add3A_384 : vector<16xi32>
    tpu.vector_store_idx %arg7[%shift_right_logical3A_11, %add3A_385], %gather3A_382 : memref<16x128xf32, #tpu.memory_space<vmem>>[vector<16xi32>, vector<16xi32>], vector<16xf32>,
    %mul3A_386 = arith.constant 0 : i32
    %mul3A_387 = vector.broadcast %mul3A_386 : i32 to vector<16xi32>
    %mul3A_388 = arith.muli %iota3A, %mul3A_387 : vector<16xi32>
    %add3A_389 = arith.constant 37 : i32
    %add3A_390 = vector.broadcast %add3A_389 : i32 to vector<16xi32>
    %add3A_391 = arith.addi %mul3A_388, %add3A_390 : vector<16xi32>
    %gather3A_392 = tpu.vector_load_idx %arg6[%add3A_9, %add3A_391] : memref<32x128xf32, #tpu.memory_space<vmem>>[vector<16xi32>, vector<16xi32>], vector<16xf32>,
    %add3A_393 = arith.constant 37 : i32
    %add3A_394 = vector.broadcast %add3A_393 : i32 to vector<16xi32>
    %add3A_395 = arith.addi %mul3A_16, %add3A_394 : vector<16xi32>
    tpu.vector_store_idx %arg7[%shift_right_logical3A_11, %add3A_395], %gather3A_392 : memref<16x128xf32, #tpu.memory_space<vmem>>[vector<16xi32>, vector<16xi32>], vector<16xf32>,
    %mul3A_396 = arith.constant 0 : i32
    %mul3A_397 = vector.broadcast %mul3A_396 : i32 to vector<16xi32>
    %mul3A_398 = arith.muli %iota3A, %mul3A_397 : vector<16xi32>
    %add3A_399 = arith.constant 38 : i32
    %add3A_400 = vector.broadcast %add3A_399 : i32 to vector<16xi32>
    %add3A_401 = arith.addi %mul3A_398, %add3A_400 : vector<16xi32>
    %gather3A_402 = tpu.vector_load_idx %arg6[%add3A_9, %add3A_401] : memref<32x128xf32, #tpu.memory_space<vmem>>[vector<16xi32>, vector<16xi32>], vector<16xf32>,
    %add3A_403 = arith.constant 38 : i32
    %add3A_404 = vector.broadcast %add3A_403 : i32 to vector<16xi32>
    %add3A_405 = arith.addi %mul3A_16, %add3A_404 : vector<16xi32>
    tpu.vector_store_idx %arg7[%shift_right_logical3A_11, %add3A_405], %gather3A_402 : memref<16x128xf32, #tpu.memory_space<vmem>>[vector<16xi32>, vector<16xi32>], vector<16xf32>,
    %mul3A_406 = arith.constant 0 : i32
    %mul3A_407 = vector.broadcast %mul3A_406 : i32 to vector<16xi32>
    %mul3A_408 = arith.muli %iota3A, %mul3A_407 : vector<16xi32>
    %add3A_409 = arith.constant 39 : i32
    %add3A_410 = vector.broadcast %add3A_409 : i32 to vector<16xi32>
    %add3A_411 = arith.addi %mul3A_408, %add3A_410 : vector<16xi32>
    %gather3A_412 = tpu.vector_load_idx %arg6[%add3A_9, %add3A_411] : memref<32x128xf32, #tpu.memory_space<vmem>>[vector<16xi32>, vector<16xi32>], vector<16xf32>,
    %add3A_413 = arith.constant 39 : i32
    %add3A_414 = vector.broadcast %add3A_413 : i32 to vector<16xi32>
    %add3A_415 = arith.addi %mul3A_16, %add3A_414 : vector<16xi32>
    tpu.vector_store_idx %arg7[%shift_right_logical3A_11, %add3A_415], %gather3A_412 : memref<16x128xf32, #tpu.memory_space<vmem>>[vector<16xi32>, vector<16xi32>], vector<16xf32>,
    %mul3A_416 = arith.constant 0 : i32
    %mul3A_417 = vector.broadcast %mul3A_416 : i32 to vector<16xi32>
    %mul3A_418 = arith.muli %iota3A, %mul3A_417 : vector<16xi32>
    %add3A_419 = arith.constant 40 : i32
    %add3A_420 = vector.broadcast %add3A_419 : i32 to vector<16xi32>
    %add3A_421 = arith.addi %mul3A_418, %add3A_420 : vector<16xi32>
    %gather3A_422 = tpu.vector_load_idx %arg6[%add3A_9, %add3A_421] : memref<32x128xf32, #tpu.memory_space<vmem>>[vector<16xi32>, vector<16xi32>], vector<16xf32>,
    %add3A_423 = arith.constant 40 : i32
    %add3A_424 = vector.broadcast %add3A_423 : i32 to vector<16xi32>
    %add3A_425 = arith.addi %mul3A_16, %add3A_424 : vector<16xi32>
    tpu.vector_store_idx %arg7[%shift_right_logical3A_11, %add3A_425], %gather3A_422 : memref<16x128xf32, #tpu.memory_space<vmem>>[vector<16xi32>, vector<16xi32>], vector<16xf32>,
    %mul3A_426 = arith.constant 0 : i32
    %mul3A_427 = vector.broadcast %mul3A_426 : i32 to vector<16xi32>
    %mul3A_428 = arith.muli %iota3A, %mul3A_427 : vector<16xi32>
    %add3A_429 = arith.constant 41 : i32
    %add3A_430 = vector.broadcast %add3A_429 : i32 to vector<16xi32>
    %add3A_431 = arith.addi %mul3A_428, %add3A_430 : vector<16xi32>
    %gather3A_432 = tpu.vector_load_idx %arg6[%add3A_9, %add3A_431] : memref<32x128xf32, #tpu.memory_space<vmem>>[vector<16xi32>, vector<16xi32>], vector<16xf32>,
    %add3A_433 = arith.constant 41 : i32
    %add3A_434 = vector.broadcast %add3A_433 : i32 to vector<16xi32>
    %add3A_435 = arith.addi %mul3A_16, %add3A_434 : vector<16xi32>
    tpu.vector_store_idx %arg7[%shift_right_logical3A_11, %add3A_435], %gather3A_432 : memref<16x128xf32, #tpu.memory_space<vmem>>[vector<16xi32>, vector<16xi32>], vector<16xf32>,
    %mul3A_436 = arith.constant 0 : i32
    %mul3A_437 = vector.broadcast %mul3A_436 : i32 to vector<16xi32>
    %mul3A_438 = arith.muli %iota3A, %mul3A_437 : vector<16xi32>
    %add3A_439 = arith.constant 42 : i32
    %add3A_440 = vector.broadcast %add3A_439 : i32 to vector<16xi32>
    %add3A_441 = arith.addi %mul3A_438, %add3A_440 : vector<16xi32>
    %gather3A_442 = tpu.vector_load_idx %arg6[%add3A_9, %add3A_441] : memref<32x128xf32, #tpu.memory_space<vmem>>[vector<16xi32>, vector<16xi32>], vector<16xf32>,
    %add3A_443 = arith.constant 42 : i32
    %add3A_444 = vector.broadcast %add3A_443 : i32 to vector<16xi32>
    %add3A_445 = arith.addi %mul3A_16, %add3A_444 : vector<16xi32>
    tpu.vector_store_idx %arg7[%shift_right_logical3A_11, %add3A_445], %gather3A_442 : memref<16x128xf32, #tpu.memory_space<vmem>>[vector<16xi32>, vector<16xi32>], vector<16xf32>,
    %mul3A_446 = arith.constant 0 : i32
    %mul3A_447 = vector.broadcast %mul3A_446 : i32 to vector<16xi32>
    %mul3A_448 = arith.muli %iota3A, %mul3A_447 : vector<16xi32>
    %add3A_449 = arith.constant 43 : i32
    %add3A_450 = vector.broadcast %add3A_449 : i32 to vector<16xi32>
    %add3A_451 = arith.addi %mul3A_448, %add3A_450 : vector<16xi32>
    %gather3A_452 = tpu.vector_load_idx %arg6[%add3A_9, %add3A_451] : memref<32x128xf32, #tpu.memory_space<vmem>>[vector<16xi32>, vector<16xi32>], vector<16xf32>,
    %add3A_453 = arith.constant 43 : i32
    %add3A_454 = vector.broadcast %add3A_453 : i32 to vector<16xi32>
    %add3A_455 = arith.addi %mul3A_16, %add3A_454 : vector<16xi32>
    tpu.vector_store_idx %arg7[%shift_right_logical3A_11, %add3A_455], %gather3A_452 : memref<16x128xf32, #tpu.memory_space<vmem>>[vector<16xi32>, vector<16xi32>], vector<16xf32>,
    %mul3A_456 = arith.constant 0 : i32
    %mul3A_457 = vector.broadcast %mul3A_456 : i32 to vector<16xi32>
    %mul3A_458 = arith.muli %iota3A, %mul3A_457 : vector<16xi32>
    %add3A_459 = arith.constant 44 : i32
    %add3A_460 = vector.broadcast %add3A_459 : i32 to vector<16xi32>
    %add3A_461 = arith.addi %mul3A_458, %add3A_460 : vector<16xi32>
    %gather3A_462 = tpu.vector_load_idx %arg6[%add3A_9, %add3A_461] : memref<32x128xf32, #tpu.memory_space<vmem>>[vector<16xi32>, vector<16xi32>], vector<16xf32>,
    %add3A_463 = arith.constant 44 : i32
    %add3A_464 = vector.broadcast %add3A_463 : i32 to vector<16xi32>
    %add3A_465 = arith.addi %mul3A_16, %add3A_464 : vector<16xi32>
    tpu.vector_store_idx %arg7[%shift_right_logical3A_11, %add3A_465], %gather3A_462 : memref<16x128xf32, #tpu.memory_space<vmem>>[vector<16xi32>, vector<16xi32>], vector<16xf32>,
    %mul3A_466 = arith.constant 0 : i32
    %mul3A_467 = vector.broadcast %mul3A_466 : i32 to vector<16xi32>
    %mul3A_468 = arith.muli %iota3A, %mul3A_467 : vector<16xi32>
    %add3A_469 = arith.constant 45 : i32
    %add3A_470 = vector.broadcast %add3A_469 : i32 to vector<16xi32>
    %add3A_471 = arith.addi %mul3A_468, %add3A_470 : vector<16xi32>
    %gather3A_472 = tpu.vector_load_idx %arg6[%add3A_9, %add3A_471] : memref<32x128xf32, #tpu.memory_space<vmem>>[vector<16xi32>, vector<16xi32>], vector<16xf32>,
    %add3A_473 = arith.constant 45 : i32
    %add3A_474 = vector.broadcast %add3A_473 : i32 to vector<16xi32>
    %add3A_475 = arith.addi %mul3A_16, %add3A_474 : vector<16xi32>
    tpu.vector_store_idx %arg7[%shift_right_logical3A_11, %add3A_475], %gather3A_472 : memref<16x128xf32, #tpu.memory_space<vmem>>[vector<16xi32>, vector<16xi32>], vector<16xf32>,
    %mul3A_476 = arith.constant 0 : i32
    %mul3A_477 = vector.broadcast %mul3A_476 : i32 to vector<16xi32>
    %mul3A_478 = arith.muli %iota3A, %mul3A_477 : vector<16xi32>
    %add3A_479 = arith.constant 46 : i32
    %add3A_480 = vector.broadcast %add3A_479 : i32 to vector<16xi32>
    %add3A_481 = arith.addi %mul3A_478, %add3A_480 : vector<16xi32>
    %gather3A_482 = tpu.vector_load_idx %arg6[%add3A_9, %add3A_481] : memref<32x128xf32, #tpu.memory_space<vmem>>[vector<16xi32>, vector<16xi32>], vector<16xf32>,
    %add3A_483 = arith.constant 46 : i32
    %add3A_484 = vector.broadcast %add3A_483 : i32 to vector<16xi32>
    %add3A_485 = arith.addi %mul3A_16, %add3A_484 : vector<16xi32>
    tpu.vector_store_idx %arg7[%shift_right_logical3A_11, %add3A_485], %gather3A_482 : memref<16x128xf32, #tpu.memory_space<vmem>>[vector<16xi32>, vector<16xi32>], vector<16xf32>,
    %mul3A_486 = arith.constant 0 : i32
    %mul3A_487 = vector.broadcast %mul3A_486 : i32 to vector<16xi32>
    %mul3A_488 = arith.muli %iota3A, %mul3A_487 : vector<16xi32>
    %add3A_489 = arith.constant 47 : i32
    %add3A_490 = vector.broadcast %add3A_489 : i32 to vector<16xi32>
    %add3A_491 = arith.addi %mul3A_488, %add3A_490 : vector<16xi32>
    %gather3A_492 = tpu.vector_load_idx %arg6[%add3A_9, %add3A_491] : memref<32x128xf32, #tpu.memory_space<vmem>>[vector<16xi32>, vector<16xi32>], vector<16xf32>,
    %add3A_493 = arith.constant 47 : i32
    %add3A_494 = vector.broadcast %add3A_493 : i32 to vector<16xi32>
    %add3A_495 = arith.addi %mul3A_16, %add3A_494 : vector<16xi32>
    tpu.vector_store_idx %arg7[%shift_right_logical3A_11, %add3A_495], %gather3A_492 : memref<16x128xf32, #tpu.memory_space<vmem>>[vector<16xi32>, vector<16xi32>], vector<16xf32>,
    %mul3A_496 = arith.constant 0 : i32
    %mul3A_497 = vector.broadcast %mul3A_496 : i32 to vector<16xi32>
    %mul3A_498 = arith.muli %iota3A, %mul3A_497 : vector<16xi32>
    %add3A_499 = arith.constant 48 : i32
    %add3A_500 = vector.broadcast %add3A_499 : i32 to vector<16xi32>
    %add3A_501 = arith.addi %mul3A_498, %add3A_500 : vector<16xi32>
    %gather3A_502 = tpu.vector_load_idx %arg6[%add3A_9, %add3A_501] : memref<32x128xf32, #tpu.memory_space<vmem>>[vector<16xi32>, vector<16xi32>], vector<16xf32>,
    %add3A_503 = arith.constant 48 : i32
    %add3A_504 = vector.broadcast %add3A_503 : i32 to vector<16xi32>
    %add3A_505 = arith.addi %mul3A_16, %add3A_504 : vector<16xi32>
    tpu.vector_store_idx %arg7[%shift_right_logical3A_11, %add3A_505], %gather3A_502 : memref<16x128xf32, #tpu.memory_space<vmem>>[vector<16xi32>, vector<16xi32>], vector<16xf32>,
    %mul3A_506 = arith.constant 0 : i32
    %mul3A_507 = vector.broadcast %mul3A_506 : i32 to vector<16xi32>
    %mul3A_508 = arith.muli %iota3A, %mul3A_507 : vector<16xi32>
    %add3A_509 = arith.constant 49 : i32
    %add3A_510 = vector.broadcast %add3A_509 : i32 to vector<16xi32>
    %add3A_511 = arith.addi %mul3A_508, %add3A_510 : vector<16xi32>
    %gather3A_512 = tpu.vector_load_idx %arg6[%add3A_9, %add3A_511] : memref<32x128xf32, #tpu.memory_space<vmem>>[vector<16xi32>, vector<16xi32>], vector<16xf32>,
    %add3A_513 = arith.constant 49 : i32
    %add3A_514 = vector.broadcast %add3A_513 : i32 to vector<16xi32>
    %add3A_515 = arith.addi %mul3A_16, %add3A_514 : vector<16xi32>
    tpu.vector_store_idx %arg7[%shift_right_logical3A_11, %add3A_515], %gather3A_512 : memref<16x128xf32, #tpu.memory_space<vmem>>[vector<16xi32>, vector<16xi32>], vector<16xf32>,
    %mul3A_516 = arith.constant 0 : i32
    %mul3A_517 = vector.broadcast %mul3A_516 : i32 to vector<16xi32>
    %mul3A_518 = arith.muli %iota3A, %mul3A_517 : vector<16xi32>
    %add3A_519 = arith.constant 50 : i32
    %add3A_520 = vector.broadcast %add3A_519 : i32 to vector<16xi32>
    %add3A_521 = arith.addi %mul3A_518, %add3A_520 : vector<16xi32>
    %gather3A_522 = tpu.vector_load_idx %arg6[%add3A_9, %add3A_521] : memref<32x128xf32, #tpu.memory_space<vmem>>[vector<16xi32>, vector<16xi32>], vector<16xf32>,
    %add3A_523 = arith.constant 50 : i32
    %add3A_524 = vector.broadcast %add3A_523 : i32 to vector<16xi32>
    %add3A_525 = arith.addi %mul3A_16, %add3A_524 : vector<16xi32>
    tpu.vector_store_idx %arg7[%shift_right_logical3A_11, %add3A_525], %gather3A_522 : memref<16x128xf32, #tpu.memory_space<vmem>>[vector<16xi32>, vector<16xi32>], vector<16xf32>,
    %mul3A_526 = arith.constant 0 : i32
    %mul3A_527 = vector.broadcast %mul3A_526 : i32 to vector<16xi32>
    %mul3A_528 = arith.muli %iota3A, %mul3A_527 : vector<16xi32>
    %add3A_529 = arith.constant 51 : i32
    %add3A_530 = vector.broadcast %add3A_529 : i32 to vector<16xi32>
    %add3A_531 = arith.addi %mul3A_528, %add3A_530 : vector<16xi32>
    %gather3A_532 = tpu.vector_load_idx %arg6[%add3A_9, %add3A_531] : memref<32x128xf32, #tpu.memory_space<vmem>>[vector<16xi32>, vector<16xi32>], vector<16xf32>,
    %add3A_533 = arith.constant 51 : i32
    %add3A_534 = vector.broadcast %add3A_533 : i32 to vector<16xi32>
    %add3A_535 = arith.addi %mul3A_16, %add3A_534 : vector<16xi32>
    tpu.vector_store_idx %arg7[%shift_right_logical3A_11, %add3A_535], %gather3A_532 : memref<16x128xf32, #tpu.memory_space<vmem>>[vector<16xi32>, vector<16xi32>], vector<16xf32>,
    %mul3A_536 = arith.constant 0 : i32
    %mul3A_537 = vector.broadcast %mul3A_536 : i32 to vector<16xi32>
    %mul3A_538 = arith.muli %iota3A, %mul3A_537 : vector<16xi32>
    %add3A_539 = arith.constant 52 : i32
    %add3A_540 = vector.broadcast %add3A_539 : i32 to vector<16xi32>
    %add3A_541 = arith.addi %mul3A_538, %add3A_540 : vector<16xi32>
    %gather3A_542 = tpu.vector_load_idx %arg6[%add3A_9, %add3A_541] : memref<32x128xf32, #tpu.memory_space<vmem>>[vector<16xi32>, vector<16xi32>], vector<16xf32>,
    %add3A_543 = arith.constant 52 : i32
    %add3A_544 = vector.broadcast %add3A_543 : i32 to vector<16xi32>
    %add3A_545 = arith.addi %mul3A_16, %add3A_544 : vector<16xi32>
    tpu.vector_store_idx %arg7[%shift_right_logical3A_11, %add3A_545], %gather3A_542 : memref<16x128xf32, #tpu.memory_space<vmem>>[vector<16xi32>, vector<16xi32>], vector<16xf32>,
    %mul3A_546 = arith.constant 0 : i32
    %mul3A_547 = vector.broadcast %mul3A_546 : i32 to vector<16xi32>
    %mul3A_548 = arith.muli %iota3A, %mul3A_547 : vector<16xi32>
    %add3A_549 = arith.constant 53 : i32
    %add3A_550 = vector.broadcast %add3A_549 : i32 to vector<16xi32>
    %add3A_551 = arith.addi %mul3A_548, %add3A_550 : vector<16xi32>
    %gather3A_552 = tpu.vector_load_idx %arg6[%add3A_9, %add3A_551] : memref<32x128xf32, #tpu.memory_space<vmem>>[vector<16xi32>, vector<16xi32>], vector<16xf32>,
    %add3A_553 = arith.constant 53 : i32
    %add3A_554 = vector.broadcast %add3A_553 : i32 to vector<16xi32>
    %add3A_555 = arith.addi %mul3A_16, %add3A_554 : vector<16xi32>
    tpu.vector_store_idx %arg7[%shift_right_logical3A_11, %add3A_555], %gather3A_552 : memref<16x128xf32, #tpu.memory_space<vmem>>[vector<16xi32>, vector<16xi32>], vector<16xf32>,
    %mul3A_556 = arith.constant 0 : i32
    %mul3A_557 = vector.broadcast %mul3A_556 : i32 to vector<16xi32>
    %mul3A_558 = arith.muli %iota3A, %mul3A_557 : vector<16xi32>
    %add3A_559 = arith.constant 54 : i32
    %add3A_560 = vector.broadcast %add3A_559 : i32 to vector<16xi32>
    %add3A_561 = arith.addi %mul3A_558, %add3A_560 : vector<16xi32>
    %gather3A_562 = tpu.vector_load_idx %arg6[%add3A_9, %add3A_561] : memref<32x128xf32, #tpu.memory_space<vmem>>[vector<16xi32>, vector<16xi32>], vector<16xf32>,
    %add3A_563 = arith.constant 54 : i32
    %add3A_564 = vector.broadcast %add3A_563 : i32 to vector<16xi32>
    %add3A_565 = arith.addi %mul3A_16, %add3A_564 : vector<16xi32>
    tpu.vector_store_idx %arg7[%shift_right_logical3A_11, %add3A_565], %gather3A_562 : memref<16x128xf32, #tpu.memory_space<vmem>>[vector<16xi32>, vector<16xi32>], vector<16xf32>,
    %mul3A_566 = arith.constant 0 : i32
    %mul3A_567 = vector.broadcast %mul3A_566 : i32 to vector<16xi32>
    %mul3A_568 = arith.muli %iota3A, %mul3A_567 : vector<16xi32>
    %add3A_569 = arith.constant 55 : i32
    %add3A_570 = vector.broadcast %add3A_569 : i32 to vector<16xi32>
    %add3A_571 = arith.addi %mul3A_568, %add3A_570 : vector<16xi32>
    %gather3A_572 = tpu.vector_load_idx %arg6[%add3A_9, %add3A_571] : memref<32x128xf32, #tpu.memory_space<vmem>>[vector<16xi32>, vector<16xi32>], vector<16xf32>,
    %add3A_573 = arith.constant 55 : i32
    %add3A_574 = vector.broadcast %add3A_573 : i32 to vector<16xi32>
    %add3A_575 = arith.addi %mul3A_16, %add3A_574 : vector<16xi32>
    tpu.vector_store_idx %arg7[%shift_right_logical3A_11, %add3A_575], %gather3A_572 : memref<16x128xf32, #tpu.memory_space<vmem>>[vector<16xi32>, vector<16xi32>], vector<16xf32>,
    %mul3A_576 = arith.constant 0 : i32
    %mul3A_577 = vector.broadcast %mul3A_576 : i32 to vector<16xi32>
    %mul3A_578 = arith.muli %iota3A, %mul3A_577 : vector<16xi32>
    %add3A_579 = arith.constant 56 : i32
    %add3A_580 = vector.broadcast %add3A_579 : i32 to vector<16xi32>
    %add3A_581 = arith.addi %mul3A_578, %add3A_580 : vector<16xi32>
    %gather3A_582 = tpu.vector_load_idx %arg6[%add3A_9, %add3A_581] : memref<32x128xf32, #tpu.memory_space<vmem>>[vector<16xi32>, vector<16xi32>], vector<16xf32>,
    %add3A_583 = arith.constant 56 : i32
    %add3A_584 = vector.broadcast %add3A_583 : i32 to vector<16xi32>
    %add3A_585 = arith.addi %mul3A_16, %add3A_584 : vector<16xi32>
    tpu.vector_store_idx %arg7[%shift_right_logical3A_11, %add3A_585], %gather3A_582 : memref<16x128xf32, #tpu.memory_space<vmem>>[vector<16xi32>, vector<16xi32>], vector<16xf32>,
    %mul3A_586 = arith.constant 0 : i32
    %mul3A_587 = vector.broadcast %mul3A_586 : i32 to vector<16xi32>
    %mul3A_588 = arith.muli %iota3A, %mul3A_587 : vector<16xi32>
    %add3A_589 = arith.constant 57 : i32
    %add3A_590 = vector.broadcast %add3A_589 : i32 to vector<16xi32>
    %add3A_591 = arith.addi %mul3A_588, %add3A_590 : vector<16xi32>
    %gather3A_592 = tpu.vector_load_idx %arg6[%add3A_9, %add3A_591] : memref<32x128xf32, #tpu.memory_space<vmem>>[vector<16xi32>, vector<16xi32>], vector<16xf32>,
    %add3A_593 = arith.constant 57 : i32
    %add3A_594 = vector.broadcast %add3A_593 : i32 to vector<16xi32>
    %add3A_595 = arith.addi %mul3A_16, %add3A_594 : vector<16xi32>
    tpu.vector_store_idx %arg7[%shift_right_logical3A_11, %add3A_595], %gather3A_592 : memref<16x128xf32, #tpu.memory_space<vmem>>[vector<16xi32>, vector<16xi32>], vector<16xf32>,
    %mul3A_596 = arith.constant 0 : i32
    %mul3A_597 = vector.broadcast %mul3A_596 : i32 to vector<16xi32>
    %mul3A_598 = arith.muli %iota3A, %mul3A_597 : vector<16xi32>
    %add3A_599 = arith.constant 58 : i32
    %add3A_600 = vector.broadcast %add3A_599 : i32 to vector<16xi32>
    %add3A_601 = arith.addi %mul3A_598, %add3A_600 : vector<16xi32>
    %gather3A_602 = tpu.vector_load_idx %arg6[%add3A_9, %add3A_601] : memref<32x128xf32, #tpu.memory_space<vmem>>[vector<16xi32>, vector<16xi32>], vector<16xf32>,
    %add3A_603 = arith.constant 58 : i32
    %add3A_604 = vector.broadcast %add3A_603 : i32 to vector<16xi32>
    %add3A_605 = arith.addi %mul3A_16, %add3A_604 : vector<16xi32>
    tpu.vector_store_idx %arg7[%shift_right_logical3A_11, %add3A_605], %gather3A_602 : memref<16x128xf32, #tpu.memory_space<vmem>>[vector<16xi32>, vector<16xi32>], vector<16xf32>,
    %mul3A_606 = arith.constant 0 : i32
    %mul3A_607 = vector.broadcast %mul3A_606 : i32 to vector<16xi32>
    %mul3A_608 = arith.muli %iota3A, %mul3A_607 : vector<16xi32>
    %add3A_609 = arith.constant 59 : i32
    %add3A_610 = vector.broadcast %add3A_609 : i32 to vector<16xi32>
    %add3A_611 = arith.addi %mul3A_608, %add3A_610 : vector<16xi32>
    %gather3A_612 = tpu.vector_load_idx %arg6[%add3A_9, %add3A_611] : memref<32x128xf32, #tpu.memory_space<vmem>>[vector<16xi32>, vector<16xi32>], vector<16xf32>,
    %add3A_613 = arith.constant 59 : i32
    %add3A_614 = vector.broadcast %add3A_613 : i32 to vector<16xi32>
    %add3A_615 = arith.addi %mul3A_16, %add3A_614 : vector<16xi32>
    tpu.vector_store_idx %arg7[%shift_right_logical3A_11, %add3A_615], %gather3A_612 : memref<16x128xf32, #tpu.memory_space<vmem>>[vector<16xi32>, vector<16xi32>], vector<16xf32>,
    %mul3A_616 = arith.constant 0 : i32
    %mul3A_617 = vector.broadcast %mul3A_616 : i32 to vector<16xi32>
    %mul3A_618 = arith.muli %iota3A, %mul3A_617 : vector<16xi32>
    %add3A_619 = arith.constant 60 : i32
    %add3A_620 = vector.broadcast %add3A_619 : i32 to vector<16xi32>
    %add3A_621 = arith.addi %mul3A_618, %add3A_620 : vector<16xi32>
    %gather3A_622 = tpu.vector_load_idx %arg6[%add3A_9, %add3A_621] : memref<32x128xf32, #tpu.memory_space<vmem>>[vector<16xi32>, vector<16xi32>], vector<16xf32>,
    %add3A_623 = arith.constant 60 : i32
    %add3A_624 = vector.broadcast %add3A_623 : i32 to vector<16xi32>
    %add3A_625 = arith.addi %mul3A_16, %add3A_624 : vector<16xi32>
    tpu.vector_store_idx %arg7[%shift_right_logical3A_11, %add3A_625], %gather3A_622 : memref<16x128xf32, #tpu.memory_space<vmem>>[vector<16xi32>, vector<16xi32>], vector<16xf32>,
    %mul3A_626 = arith.constant 0 : i32
    %mul3A_627 = vector.broadcast %mul3A_626 : i32 to vector<16xi32>
    %mul3A_628 = arith.muli %iota3A, %mul3A_627 : vector<16xi32>
    %add3A_629 = arith.constant 61 : i32
    %add3A_630 = vector.broadcast %add3A_629 : i32 to vector<16xi32>
    %add3A_631 = arith.addi %mul3A_628, %add3A_630 : vector<16xi32>
    %gather3A_632 = tpu.vector_load_idx %arg6[%add3A_9, %add3A_631] : memref<32x128xf32, #tpu.memory_space<vmem>>[vector<16xi32>, vector<16xi32>], vector<16xf32>,
    %add3A_633 = arith.constant 61 : i32
    %add3A_634 = vector.broadcast %add3A_633 : i32 to vector<16xi32>
    %add3A_635 = arith.addi %mul3A_16, %add3A_634 : vector<16xi32>
    tpu.vector_store_idx %arg7[%shift_right_logical3A_11, %add3A_635], %gather3A_632 : memref<16x128xf32, #tpu.memory_space<vmem>>[vector<16xi32>, vector<16xi32>], vector<16xf32>,
    %mul3A_636 = arith.constant 0 : i32
    %mul3A_637 = vector.broadcast %mul3A_636 : i32 to vector<16xi32>
    %mul3A_638 = arith.muli %iota3A, %mul3A_637 : vector<16xi32>
    %add3A_639 = arith.constant 62 : i32
    %add3A_640 = vector.broadcast %add3A_639 : i32 to vector<16xi32>
    %add3A_641 = arith.addi %mul3A_638, %add3A_640 : vector<16xi32>
    %gather3A_642 = tpu.vector_load_idx %arg6[%add3A_9, %add3A_641] : memref<32x128xf32, #tpu.memory_space<vmem>>[vector<16xi32>, vector<16xi32>], vector<16xf32>,
    %add3A_643 = arith.constant 62 : i32
    %add3A_644 = vector.broadcast %add3A_643 : i32 to vector<16xi32>
    %add3A_645 = arith.addi %mul3A_16, %add3A_644 : vector<16xi32>
    tpu.vector_store_idx %arg7[%shift_right_logical3A_11, %add3A_645], %gather3A_642 : memref<16x128xf32, #tpu.memory_space<vmem>>[vector<16xi32>, vector<16xi32>], vector<16xf32>,
    %mul3A_646 = arith.constant 0 : i32
    %mul3A_647 = vector.broadcast %mul3A_646 : i32 to vector<16xi32>
    %mul3A_648 = arith.muli %iota3A, %mul3A_647 : vector<16xi32>
    %add3A_649 = arith.constant 63 : i32
    %add3A_650 = vector.broadcast %add3A_649 : i32 to vector<16xi32>
    %add3A_651 = arith.addi %mul3A_648, %add3A_650 : vector<16xi32>
    %gather3A_652 = tpu.vector_load_idx %arg6[%add3A_9, %add3A_651] : memref<32x128xf32, #tpu.memory_space<vmem>>[vector<16xi32>, vector<16xi32>], vector<16xf32>,
    %add3A_653 = arith.constant 63 : i32
    %add3A_654 = vector.broadcast %add3A_653 : i32 to vector<16xi32>
    %add3A_655 = arith.addi %mul3A_16, %add3A_654 : vector<16xi32>
    tpu.vector_store_idx %arg7[%shift_right_logical3A_11, %add3A_655], %gather3A_652 : memref<16x128xf32, #tpu.memory_space<vmem>>[vector<16xi32>, vector<16xi32>], vector<16xf32>,
    %add3A_656 = arith.constant 16 : i32
    %add3A_657 = vector.broadcast %add3A_656 : i32 to vector<16xi32>
    %add3A_658 = arith.addi %iota3A, %add3A_657 : vector<16xi32>
    %shift_right_logical3A_659 = arith.constant 1 : i32
    %shift_right_logical3A_660 = vector.broadcast %shift_right_logical3A_659 : i32 to vector<16xi32>
    %shift_right_logical3A_661 = arith.shrui %add3A_658, %shift_right_logical3A_660 : vector<16xi32>
    %and3A_662 = arith.constant 1 : i32
    %and3A_663 = vector.broadcast %and3A_662 : i32 to vector<16xi32>
    %and3A_664 = arith.andi %add3A_658, %and3A_663 : vector<16xi32>
    %mul3A_665 = arith.constant 64 : i32
    %mul3A_666 = vector.broadcast %mul3A_665 : i32 to vector<16xi32>
    %mul3A_667 = arith.muli %and3A_664, %mul3A_666 : vector<16xi32>
    %mul3A_668 = arith.constant 0 : i32
    %mul3A_669 = vector.broadcast %mul3A_668 : i32 to vector<16xi32>
    %mul3A_670 = arith.muli %iota3A, %mul3A_669 : vector<16xi32>
    %add3A_671 = arith.constant 0 : i32
    %add3A_672 = vector.broadcast %add3A_671 : i32 to vector<16xi32>
    %add3A_673 = arith.addi %mul3A_670, %add3A_672 : vector<16xi32>
    %gather3A_674 = tpu.vector_load_idx %arg6[%add3A_658, %add3A_673] : memref<32x128xf32, #tpu.memory_space<vmem>>[vector<16xi32>, vector<16xi32>], vector<16xf32>,
    %add3A_675 = arith.constant 0 : i32
    %add3A_676 = vector.broadcast %add3A_675 : i32 to vector<16xi32>
    %add3A_677 = arith.addi %mul3A_667, %add3A_676 : vector<16xi32>
    tpu.vector_store_idx %arg7[%shift_right_logical3A_661, %add3A_677], %gather3A_674 : memref<16x128xf32, #tpu.memory_space<vmem>>[vector<16xi32>, vector<16xi32>], vector<16xf32>,
    %mul3A_678 = arith.constant 0 : i32
    %mul3A_679 = vector.broadcast %mul3A_678 : i32 to vector<16xi32>
    %mul3A_680 = arith.muli %iota3A, %mul3A_679 : vector<16xi32>
    %add3A_681 = arith.constant 1 : i32
    %add3A_682 = vector.broadcast %add3A_681 : i32 to vector<16xi32>
    %add3A_683 = arith.addi %mul3A_680, %add3A_682 : vector<16xi32>
    %gather3A_684 = tpu.vector_load_idx %arg6[%add3A_658, %add3A_683] : memref<32x128xf32, #tpu.memory_space<vmem>>[vector<16xi32>, vector<16xi32>], vector<16xf32>,
    %add3A_685 = arith.constant 1 : i32
    %add3A_686 = vector.broadcast %add3A_685 : i32 to vector<16xi32>
    %add3A_687 = arith.addi %mul3A_667, %add3A_686 : vector<16xi32>
    tpu.vector_store_idx %arg7[%shift_right_logical3A_661, %add3A_687], %gather3A_684 : memref<16x128xf32, #tpu.memory_space<vmem>>[vector<16xi32>, vector<16xi32>], vector<16xf32>,
    %mul3A_688 = arith.constant 0 : i32
    %mul3A_689 = vector.broadcast %mul3A_688 : i32 to vector<16xi32>
    %mul3A_690 = arith.muli %iota3A, %mul3A_689 : vector<16xi32>
    %add3A_691 = arith.constant 2 : i32
    %add3A_692 = vector.broadcast %add3A_691 : i32 to vector<16xi32>
    %add3A_693 = arith.addi %mul3A_690, %add3A_692 : vector<16xi32>
    %gather3A_694 = tpu.vector_load_idx %arg6[%add3A_658, %add3A_693] : memref<32x128xf32, #tpu.memory_space<vmem>>[vector<16xi32>, vector<16xi32>], vector<16xf32>,
    %add3A_695 = arith.constant 2 : i32
    %add3A_696 = vector.broadcast %add3A_695 : i32 to vector<16xi32>
    %add3A_697 = arith.addi %mul3A_667, %add3A_696 : vector<16xi32>
    tpu.vector_store_idx %arg7[%shift_right_logical3A_661, %add3A_697], %gather3A_694 : memref<16x128xf32, #tpu.memory_space<vmem>>[vector<16xi32>, vector<16xi32>], vector<16xf32>,
    %mul3A_698 = arith.constant 0 : i32
    %mul3A_699 = vector.broadcast %mul3A_698 : i32 to vector<16xi32>
    %mul3A_700 = arith.muli %iota3A, %mul3A_699 : vector<16xi32>
    %add3A_701 = arith.constant 3 : i32
    %add3A_702 = vector.broadcast %add3A_701 : i32 to vector<16xi32>
    %add3A_703 = arith.addi %mul3A_700, %add3A_702 : vector<16xi32>
    %gather3A_704 = tpu.vector_load_idx %arg6[%add3A_658, %add3A_703] : memref<32x128xf32, #tpu.memory_space<vmem>>[vector<16xi32>, vector<16xi32>], vector<16xf32>,
    %add3A_705 = arith.constant 3 : i32
    %add3A_706 = vector.broadcast %add3A_705 : i32 to vector<16xi32>
    %add3A_707 = arith.addi %mul3A_667, %add3A_706 : vector<16xi32>
    tpu.vector_store_idx %arg7[%shift_right_logical3A_661, %add3A_707], %gather3A_704 : memref<16x128xf32, #tpu.memory_space<vmem>>[vector<16xi32>, vector<16xi32>], vector<16xf32>,
    %mul3A_708 = arith.constant 0 : i32
    %mul3A_709 = vector.broadcast %mul3A_708 : i32 to vector<16xi32>
    %mul3A_710 = arith.muli %iota3A, %mul3A_709 : vector<16xi32>
    %add3A_711 = arith.constant 4 : i32
    %add3A_712 = vector.broadcast %add3A_711 : i32 to vector<16xi32>
    %add3A_713 = arith.addi %mul3A_710, %add3A_712 : vector<16xi32>
    %gather3A_714 = tpu.vector_load_idx %arg6[%add3A_658, %add3A_713] : memref<32x128xf32, #tpu.memory_space<vmem>>[vector<16xi32>, vector<16xi32>], vector<16xf32>,
    %add3A_715 = arith.constant 4 : i32
    %add3A_716 = vector.broadcast %add3A_715 : i32 to vector<16xi32>
    %add3A_717 = arith.addi %mul3A_667, %add3A_716 : vector<16xi32>
    tpu.vector_store_idx %arg7[%shift_right_logical3A_661, %add3A_717], %gather3A_714 : memref<16x128xf32, #tpu.memory_space<vmem>>[vector<16xi32>, vector<16xi32>], vector<16xf32>,
    %mul3A_718 = arith.constant 0 : i32
    %mul3A_719 = vector.broadcast %mul3A_718 : i32 to vector<16xi32>
    %mul3A_720 = arith.muli %iota3A, %mul3A_719 : vector<16xi32>
    %add3A_721 = arith.constant 5 : i32
    %add3A_722 = vector.broadcast %add3A_721 : i32 to vector<16xi32>
    %add3A_723 = arith.addi %mul3A_720, %add3A_722 : vector<16xi32>
    %gather3A_724 = tpu.vector_load_idx %arg6[%add3A_658, %add3A_723] : memref<32x128xf32, #tpu.memory_space<vmem>>[vector<16xi32>, vector<16xi32>], vector<16xf32>,
    %add3A_725 = arith.constant 5 : i32
    %add3A_726 = vector.broadcast %add3A_725 : i32 to vector<16xi32>
    %add3A_727 = arith.addi %mul3A_667, %add3A_726 : vector<16xi32>
    tpu.vector_store_idx %arg7[%shift_right_logical3A_661, %add3A_727], %gather3A_724 : memref<16x128xf32, #tpu.memory_space<vmem>>[vector<16xi32>, vector<16xi32>], vector<16xf32>,
    %mul3A_728 = arith.constant 0 : i32
    %mul3A_729 = vector.broadcast %mul3A_728 : i32 to vector<16xi32>
    %mul3A_730 = arith.muli %iota3A, %mul3A_729 : vector<16xi32>
    %add3A_731 = arith.constant 6 : i32
    %add3A_732 = vector.broadcast %add3A_731 : i32 to vector<16xi32>
    %add3A_733 = arith.addi %mul3A_730, %add3A_732 : vector<16xi32>
    %gather3A_734 = tpu.vector_load_idx %arg6[%add3A_658, %add3A_733] : memref<32x128xf32, #tpu.memory_space<vmem>>[vector<16xi32>, vector<16xi32>], vector<16xf32>,
    %add3A_735 = arith.constant 6 : i32
    %add3A_736 = vector.broadcast %add3A_735 : i32 to vector<16xi32>
    %add3A_737 = arith.addi %mul3A_667, %add3A_736 : vector<16xi32>
    tpu.vector_store_idx %arg7[%shift_right_logical3A_661, %add3A_737], %gather3A_734 : memref<16x128xf32, #tpu.memory_space<vmem>>[vector<16xi32>, vector<16xi32>], vector<16xf32>,
    %mul3A_738 = arith.constant 0 : i32
    %mul3A_739 = vector.broadcast %mul3A_738 : i32 to vector<16xi32>
    %mul3A_740 = arith.muli %iota3A, %mul3A_739 : vector<16xi32>
    %add3A_741 = arith.constant 7 : i32
    %add3A_742 = vector.broadcast %add3A_741 : i32 to vector<16xi32>
    %add3A_743 = arith.addi %mul3A_740, %add3A_742 : vector<16xi32>
    %gather3A_744 = tpu.vector_load_idx %arg6[%add3A_658, %add3A_743] : memref<32x128xf32, #tpu.memory_space<vmem>>[vector<16xi32>, vector<16xi32>], vector<16xf32>,
    %add3A_745 = arith.constant 7 : i32
    %add3A_746 = vector.broadcast %add3A_745 : i32 to vector<16xi32>
    %add3A_747 = arith.addi %mul3A_667, %add3A_746 : vector<16xi32>
    tpu.vector_store_idx %arg7[%shift_right_logical3A_661, %add3A_747], %gather3A_744 : memref<16x128xf32, #tpu.memory_space<vmem>>[vector<16xi32>, vector<16xi32>], vector<16xf32>,
    %mul3A_748 = arith.constant 0 : i32
    %mul3A_749 = vector.broadcast %mul3A_748 : i32 to vector<16xi32>
    %mul3A_750 = arith.muli %iota3A, %mul3A_749 : vector<16xi32>
    %add3A_751 = arith.constant 8 : i32
    %add3A_752 = vector.broadcast %add3A_751 : i32 to vector<16xi32>
    %add3A_753 = arith.addi %mul3A_750, %add3A_752 : vector<16xi32>
    %gather3A_754 = tpu.vector_load_idx %arg6[%add3A_658, %add3A_753] : memref<32x128xf32, #tpu.memory_space<vmem>>[vector<16xi32>, vector<16xi32>], vector<16xf32>,
    %add3A_755 = arith.constant 8 : i32
    %add3A_756 = vector.broadcast %add3A_755 : i32 to vector<16xi32>
    %add3A_757 = arith.addi %mul3A_667, %add3A_756 : vector<16xi32>
    tpu.vector_store_idx %arg7[%shift_right_logical3A_661, %add3A_757], %gather3A_754 : memref<16x128xf32, #tpu.memory_space<vmem>>[vector<16xi32>, vector<16xi32>], vector<16xf32>,
    %mul3A_758 = arith.constant 0 : i32
    %mul3A_759 = vector.broadcast %mul3A_758 : i32 to vector<16xi32>
    %mul3A_760 = arith.muli %iota3A, %mul3A_759 : vector<16xi32>
    %add3A_761 = arith.constant 9 : i32
    %add3A_762 = vector.broadcast %add3A_761 : i32 to vector<16xi32>
    %add3A_763 = arith.addi %mul3A_760, %add3A_762 : vector<16xi32>
    %gather3A_764 = tpu.vector_load_idx %arg6[%add3A_658, %add3A_763] : memref<32x128xf32, #tpu.memory_space<vmem>>[vector<16xi32>, vector<16xi32>], vector<16xf32>,
    %add3A_765 = arith.constant 9 : i32
    %add3A_766 = vector.broadcast %add3A_765 : i32 to vector<16xi32>
    %add3A_767 = arith.addi %mul3A_667, %add3A_766 : vector<16xi32>
    tpu.vector_store_idx %arg7[%shift_right_logical3A_661, %add3A_767], %gather3A_764 : memref<16x128xf32, #tpu.memory_space<vmem>>[vector<16xi32>, vector<16xi32>], vector<16xf32>,
    %mul3A_768 = arith.constant 0 : i32
    %mul3A_769 = vector.broadcast %mul3A_768 : i32 to vector<16xi32>
    %mul3A_770 = arith.muli %iota3A, %mul3A_769 : vector<16xi32>
    %add3A_771 = arith.constant 10 : i32
    %add3A_772 = vector.broadcast %add3A_771 : i32 to vector<16xi32>
    %add3A_773 = arith.addi %mul3A_770, %add3A_772 : vector<16xi32>
    %gather3A_774 = tpu.vector_load_idx %arg6[%add3A_658, %add3A_773] : memref<32x128xf32, #tpu.memory_space<vmem>>[vector<16xi32>, vector<16xi32>], vector<16xf32>,
    %add3A_775 = arith.constant 10 : i32
    %add3A_776 = vector.broadcast %add3A_775 : i32 to vector<16xi32>
    %add3A_777 = arith.addi %mul3A_667, %add3A_776 : vector<16xi32>
    tpu.vector_store_idx %arg7[%shift_right_logical3A_661, %add3A_777], %gather3A_774 : memref<16x128xf32, #tpu.memory_space<vmem>>[vector<16xi32>, vector<16xi32>], vector<16xf32>,
    %mul3A_778 = arith.constant 0 : i32
    %mul3A_779 = vector.broadcast %mul3A_778 : i32 to vector<16xi32>
    %mul3A_780 = arith.muli %iota3A, %mul3A_779 : vector<16xi32>
    %add3A_781 = arith.constant 11 : i32
    %add3A_782 = vector.broadcast %add3A_781 : i32 to vector<16xi32>
    %add3A_783 = arith.addi %mul3A_780, %add3A_782 : vector<16xi32>
    %gather3A_784 = tpu.vector_load_idx %arg6[%add3A_658, %add3A_783] : memref<32x128xf32, #tpu.memory_space<vmem>>[vector<16xi32>, vector<16xi32>], vector<16xf32>,
    %add3A_785 = arith.constant 11 : i32
    %add3A_786 = vector.broadcast %add3A_785 : i32 to vector<16xi32>
    %add3A_787 = arith.addi %mul3A_667, %add3A_786 : vector<16xi32>
    tpu.vector_store_idx %arg7[%shift_right_logical3A_661, %add3A_787], %gather3A_784 : memref<16x128xf32, #tpu.memory_space<vmem>>[vector<16xi32>, vector<16xi32>], vector<16xf32>,
    %mul3A_788 = arith.constant 0 : i32
    %mul3A_789 = vector.broadcast %mul3A_788 : i32 to vector<16xi32>
    %mul3A_790 = arith.muli %iota3A, %mul3A_789 : vector<16xi32>
    %add3A_791 = arith.constant 12 : i32
    %add3A_792 = vector.broadcast %add3A_791 : i32 to vector<16xi32>
    %add3A_793 = arith.addi %mul3A_790, %add3A_792 : vector<16xi32>
    %gather3A_794 = tpu.vector_load_idx %arg6[%add3A_658, %add3A_793] : memref<32x128xf32, #tpu.memory_space<vmem>>[vector<16xi32>, vector<16xi32>], vector<16xf32>,
    %add3A_795 = arith.constant 12 : i32
    %add3A_796 = vector.broadcast %add3A_795 : i32 to vector<16xi32>
    %add3A_797 = arith.addi %mul3A_667, %add3A_796 : vector<16xi32>
    tpu.vector_store_idx %arg7[%shift_right_logical3A_661, %add3A_797], %gather3A_794 : memref<16x128xf32, #tpu.memory_space<vmem>>[vector<16xi32>, vector<16xi32>], vector<16xf32>,
    %mul3A_798 = arith.constant 0 : i32
    %mul3A_799 = vector.broadcast %mul3A_798 : i32 to vector<16xi32>
    %mul3A_800 = arith.muli %iota3A, %mul3A_799 : vector<16xi32>
    %add3A_801 = arith.constant 13 : i32
    %add3A_802 = vector.broadcast %add3A_801 : i32 to vector<16xi32>
    %add3A_803 = arith.addi %mul3A_800, %add3A_802 : vector<16xi32>
    %gather3A_804 = tpu.vector_load_idx %arg6[%add3A_658, %add3A_803] : memref<32x128xf32, #tpu.memory_space<vmem>>[vector<16xi32>, vector<16xi32>], vector<16xf32>,
    %add3A_805 = arith.constant 13 : i32
    %add3A_806 = vector.broadcast %add3A_805 : i32 to vector<16xi32>
    %add3A_807 = arith.addi %mul3A_667, %add3A_806 : vector<16xi32>
    tpu.vector_store_idx %arg7[%shift_right_logical3A_661, %add3A_807], %gather3A_804 : memref<16x128xf32, #tpu.memory_space<vmem>>[vector<16xi32>, vector<16xi32>], vector<16xf32>,
    %mul3A_808 = arith.constant 0 : i32
    %mul3A_809 = vector.broadcast %mul3A_808 : i32 to vector<16xi32>
    %mul3A_810 = arith.muli %iota3A, %mul3A_809 : vector<16xi32>
    %add3A_811 = arith.constant 14 : i32
    %add3A_812 = vector.broadcast %add3A_811 : i32 to vector<16xi32>
    %add3A_813 = arith.addi %mul3A_810, %add3A_812 : vector<16xi32>
    %gather3A_814 = tpu.vector_load_idx %arg6[%add3A_658, %add3A_813] : memref<32x128xf32, #tpu.memory_space<vmem>>[vector<16xi32>, vector<16xi32>], vector<16xf32>,
    %add3A_815 = arith.constant 14 : i32
    %add3A_816 = vector.broadcast %add3A_815 : i32 to vector<16xi32>
    %add3A_817 = arith.addi %mul3A_667, %add3A_816 : vector<16xi32>
    tpu.vector_store_idx %arg7[%shift_right_logical3A_661, %add3A_817], %gather3A_814 : memref<16x128xf32, #tpu.memory_space<vmem>>[vector<16xi32>, vector<16xi32>], vector<16xf32>,
    %mul3A_818 = arith.constant 0 : i32
    %mul3A_819 = vector.broadcast %mul3A_818 : i32 to vector<16xi32>
    %mul3A_820 = arith.muli %iota3A, %mul3A_819 : vector<16xi32>
    %add3A_821 = arith.constant 15 : i32
    %add3A_822 = vector.broadcast %add3A_821 : i32 to vector<16xi32>
    %add3A_823 = arith.addi %mul3A_820, %add3A_822 : vector<16xi32>
    %gather3A_824 = tpu.vector_load_idx %arg6[%add3A_658, %add3A_823] : memref<32x128xf32, #tpu.memory_space<vmem>>[vector<16xi32>, vector<16xi32>], vector<16xf32>,
    %add3A_825 = arith.constant 15 : i32
    %add3A_826 = vector.broadcast %add3A_825 : i32 to vector<16xi32>
    %add3A_827 = arith.addi %mul3A_667, %add3A_826 : vector<16xi32>
    tpu.vector_store_idx %arg7[%shift_right_logical3A_661, %add3A_827], %gather3A_824 : memref<16x128xf32, #tpu.memory_space<vmem>>[vector<16xi32>, vector<16xi32>], vector<16xf32>,
    %mul3A_828 = arith.constant 0 : i32
    %mul3A_829 = vector.broadcast %mul3A_828 : i32 to vector<16xi32>
    %mul3A_830 = arith.muli %iota3A, %mul3A_829 : vector<16xi32>
    %add3A_831 = arith.constant 16 : i32
    %add3A_832 = vector.broadcast %add3A_831 : i32 to vector<16xi32>
    %add3A_833 = arith.addi %mul3A_830, %add3A_832 : vector<16xi32>
    %gather3A_834 = tpu.vector_load_idx %arg6[%add3A_658, %add3A_833] : memref<32x128xf32, #tpu.memory_space<vmem>>[vector<16xi32>, vector<16xi32>], vector<16xf32>,
    %add3A_835 = arith.constant 16 : i32
    %add3A_836 = vector.broadcast %add3A_835 : i32 to vector<16xi32>
    %add3A_837 = arith.addi %mul3A_667, %add3A_836 : vector<16xi32>
    tpu.vector_store_idx %arg7[%shift_right_logical3A_661, %add3A_837], %gather3A_834 : memref<16x128xf32, #tpu.memory_space<vmem>>[vector<16xi32>, vector<16xi32>], vector<16xf32>,
    %mul3A_838 = arith.constant 0 : i32
    %mul3A_839 = vector.broadcast %mul3A_838 : i32 to vector<16xi32>
    %mul3A_840 = arith.muli %iota3A, %mul3A_839 : vector<16xi32>
    %add3A_841 = arith.constant 17 : i32
    %add3A_842 = vector.broadcast %add3A_841 : i32 to vector<16xi32>
    %add3A_843 = arith.addi %mul3A_840, %add3A_842 : vector<16xi32>
    %gather3A_844 = tpu.vector_load_idx %arg6[%add3A_658, %add3A_843] : memref<32x128xf32, #tpu.memory_space<vmem>>[vector<16xi32>, vector<16xi32>], vector<16xf32>,
    %add3A_845 = arith.constant 17 : i32
    %add3A_846 = vector.broadcast %add3A_845 : i32 to vector<16xi32>
    %add3A_847 = arith.addi %mul3A_667, %add3A_846 : vector<16xi32>
    tpu.vector_store_idx %arg7[%shift_right_logical3A_661, %add3A_847], %gather3A_844 : memref<16x128xf32, #tpu.memory_space<vmem>>[vector<16xi32>, vector<16xi32>], vector<16xf32>,
    %mul3A_848 = arith.constant 0 : i32
    %mul3A_849 = vector.broadcast %mul3A_848 : i32 to vector<16xi32>
    %mul3A_850 = arith.muli %iota3A, %mul3A_849 : vector<16xi32>
    %add3A_851 = arith.constant 18 : i32
    %add3A_852 = vector.broadcast %add3A_851 : i32 to vector<16xi32>
    %add3A_853 = arith.addi %mul3A_850, %add3A_852 : vector<16xi32>
    %gather3A_854 = tpu.vector_load_idx %arg6[%add3A_658, %add3A_853] : memref<32x128xf32, #tpu.memory_space<vmem>>[vector<16xi32>, vector<16xi32>], vector<16xf32>,
    %add3A_855 = arith.constant 18 : i32
    %add3A_856 = vector.broadcast %add3A_855 : i32 to vector<16xi32>
    %add3A_857 = arith.addi %mul3A_667, %add3A_856 : vector<16xi32>
    tpu.vector_store_idx %arg7[%shift_right_logical3A_661, %add3A_857], %gather3A_854 : memref<16x128xf32, #tpu.memory_space<vmem>>[vector<16xi32>, vector<16xi32>], vector<16xf32>,
    %mul3A_858 = arith.constant 0 : i32
    %mul3A_859 = vector.broadcast %mul3A_858 : i32 to vector<16xi32>
    %mul3A_860 = arith.muli %iota3A, %mul3A_859 : vector<16xi32>
    %add3A_861 = arith.constant 19 : i32
    %add3A_862 = vector.broadcast %add3A_861 : i32 to vector<16xi32>
    %add3A_863 = arith.addi %mul3A_860, %add3A_862 : vector<16xi32>
    %gather3A_864 = tpu.vector_load_idx %arg6[%add3A_658, %add3A_863] : memref<32x128xf32, #tpu.memory_space<vmem>>[vector<16xi32>, vector<16xi32>], vector<16xf32>,
    %add3A_865 = arith.constant 19 : i32
    %add3A_866 = vector.broadcast %add3A_865 : i32 to vector<16xi32>
    %add3A_867 = arith.addi %mul3A_667, %add3A_866 : vector<16xi32>
    tpu.vector_store_idx %arg7[%shift_right_logical3A_661, %add3A_867], %gather3A_864 : memref<16x128xf32, #tpu.memory_space<vmem>>[vector<16xi32>, vector<16xi32>], vector<16xf32>,
    %mul3A_868 = arith.constant 0 : i32
    %mul3A_869 = vector.broadcast %mul3A_868 : i32 to vector<16xi32>
    %mul3A_870 = arith.muli %iota3A, %mul3A_869 : vector<16xi32>
    %add3A_871 = arith.constant 20 : i32
    %add3A_872 = vector.broadcast %add3A_871 : i32 to vector<16xi32>
    %add3A_873 = arith.addi %mul3A_870, %add3A_872 : vector<16xi32>
    %gather3A_874 = tpu.vector_load_idx %arg6[%add3A_658, %add3A_873] : memref<32x128xf32, #tpu.memory_space<vmem>>[vector<16xi32>, vector<16xi32>], vector<16xf32>,
    %add3A_875 = arith.constant 20 : i32
    %add3A_876 = vector.broadcast %add3A_875 : i32 to vector<16xi32>
    %add3A_877 = arith.addi %mul3A_667, %add3A_876 : vector<16xi32>
    tpu.vector_store_idx %arg7[%shift_right_logical3A_661, %add3A_877], %gather3A_874 : memref<16x128xf32, #tpu.memory_space<vmem>>[vector<16xi32>, vector<16xi32>], vector<16xf32>,
    %mul3A_878 = arith.constant 0 : i32
    %mul3A_879 = vector.broadcast %mul3A_878 : i32 to vector<16xi32>
    %mul3A_880 = arith.muli %iota3A, %mul3A_879 : vector<16xi32>
    %add3A_881 = arith.constant 21 : i32
    %add3A_882 = vector.broadcast %add3A_881 : i32 to vector<16xi32>
    %add3A_883 = arith.addi %mul3A_880, %add3A_882 : vector<16xi32>
    %gather3A_884 = tpu.vector_load_idx %arg6[%add3A_658, %add3A_883] : memref<32x128xf32, #tpu.memory_space<vmem>>[vector<16xi32>, vector<16xi32>], vector<16xf32>,
    %add3A_885 = arith.constant 21 : i32
    %add3A_886 = vector.broadcast %add3A_885 : i32 to vector<16xi32>
    %add3A_887 = arith.addi %mul3A_667, %add3A_886 : vector<16xi32>
    tpu.vector_store_idx %arg7[%shift_right_logical3A_661, %add3A_887], %gather3A_884 : memref<16x128xf32, #tpu.memory_space<vmem>>[vector<16xi32>, vector<16xi32>], vector<16xf32>,
    %mul3A_888 = arith.constant 0 : i32
    %mul3A_889 = vector.broadcast %mul3A_888 : i32 to vector<16xi32>
    %mul3A_890 = arith.muli %iota3A, %mul3A_889 : vector<16xi32>
    %add3A_891 = arith.constant 22 : i32
    %add3A_892 = vector.broadcast %add3A_891 : i32 to vector<16xi32>
    %add3A_893 = arith.addi %mul3A_890, %add3A_892 : vector<16xi32>
    %gather3A_894 = tpu.vector_load_idx %arg6[%add3A_658, %add3A_893] : memref<32x128xf32, #tpu.memory_space<vmem>>[vector<16xi32>, vector<16xi32>], vector<16xf32>,
    %add3A_895 = arith.constant 22 : i32
    %add3A_896 = vector.broadcast %add3A_895 : i32 to vector<16xi32>
    %add3A_897 = arith.addi %mul3A_667, %add3A_896 : vector<16xi32>
    tpu.vector_store_idx %arg7[%shift_right_logical3A_661, %add3A_897], %gather3A_894 : memref<16x128xf32, #tpu.memory_space<vmem>>[vector<16xi32>, vector<16xi32>], vector<16xf32>,
    %mul3A_898 = arith.constant 0 : i32
    %mul3A_899 = vector.broadcast %mul3A_898 : i32 to vector<16xi32>
    %mul3A_900 = arith.muli %iota3A, %mul3A_899 : vector<16xi32>
    %add3A_901 = arith.constant 23 : i32
    %add3A_902 = vector.broadcast %add3A_901 : i32 to vector<16xi32>
    %add3A_903 = arith.addi %mul3A_900, %add3A_902 : vector<16xi32>
    %gather3A_904 = tpu.vector_load_idx %arg6[%add3A_658, %add3A_903] : memref<32x128xf32, #tpu.memory_space<vmem>>[vector<16xi32>, vector<16xi32>], vector<16xf32>,
    %add3A_905 = arith.constant 23 : i32
    %add3A_906 = vector.broadcast %add3A_905 : i32 to vector<16xi32>
    %add3A_907 = arith.addi %mul3A_667, %add3A_906 : vector<16xi32>
    tpu.vector_store_idx %arg7[%shift_right_logical3A_661, %add3A_907], %gather3A_904 : memref<16x128xf32, #tpu.memory_space<vmem>>[vector<16xi32>, vector<16xi32>], vector<16xf32>,
    %mul3A_908 = arith.constant 0 : i32
    %mul3A_909 = vector.broadcast %mul3A_908 : i32 to vector<16xi32>
    %mul3A_910 = arith.muli %iota3A, %mul3A_909 : vector<16xi32>
    %add3A_911 = arith.constant 24 : i32
    %add3A_912 = vector.broadcast %add3A_911 : i32 to vector<16xi32>
    %add3A_913 = arith.addi %mul3A_910, %add3A_912 : vector<16xi32>
    %gather3A_914 = tpu.vector_load_idx %arg6[%add3A_658, %add3A_913] : memref<32x128xf32, #tpu.memory_space<vmem>>[vector<16xi32>, vector<16xi32>], vector<16xf32>,
    %add3A_915 = arith.constant 24 : i32
    %add3A_916 = vector.broadcast %add3A_915 : i32 to vector<16xi32>
    %add3A_917 = arith.addi %mul3A_667, %add3A_916 : vector<16xi32>
    tpu.vector_store_idx %arg7[%shift_right_logical3A_661, %add3A_917], %gather3A_914 : memref<16x128xf32, #tpu.memory_space<vmem>>[vector<16xi32>, vector<16xi32>], vector<16xf32>,
    %mul3A_918 = arith.constant 0 : i32
    %mul3A_919 = vector.broadcast %mul3A_918 : i32 to vector<16xi32>
    %mul3A_920 = arith.muli %iota3A, %mul3A_919 : vector<16xi32>
    %add3A_921 = arith.constant 25 : i32
    %add3A_922 = vector.broadcast %add3A_921 : i32 to vector<16xi32>
    %add3A_923 = arith.addi %mul3A_920, %add3A_922 : vector<16xi32>
    %gather3A_924 = tpu.vector_load_idx %arg6[%add3A_658, %add3A_923] : memref<32x128xf32, #tpu.memory_space<vmem>>[vector<16xi32>, vector<16xi32>], vector<16xf32>,
    %add3A_925 = arith.constant 25 : i32
    %add3A_926 = vector.broadcast %add3A_925 : i32 to vector<16xi32>
    %add3A_927 = arith.addi %mul3A_667, %add3A_926 : vector<16xi32>
    tpu.vector_store_idx %arg7[%shift_right_logical3A_661, %add3A_927], %gather3A_924 : memref<16x128xf32, #tpu.memory_space<vmem>>[vector<16xi32>, vector<16xi32>], vector<16xf32>,
    %mul3A_928 = arith.constant 0 : i32
    %mul3A_929 = vector.broadcast %mul3A_928 : i32 to vector<16xi32>
    %mul3A_930 = arith.muli %iota3A, %mul3A_929 : vector<16xi32>
    %add3A_931 = arith.constant 26 : i32
    %add3A_932 = vector.broadcast %add3A_931 : i32 to vector<16xi32>
    %add3A_933 = arith.addi %mul3A_930, %add3A_932 : vector<16xi32>
    %gather3A_934 = tpu.vector_load_idx %arg6[%add3A_658, %add3A_933] : memref<32x128xf32, #tpu.memory_space<vmem>>[vector<16xi32>, vector<16xi32>], vector<16xf32>,
    %add3A_935 = arith.constant 26 : i32
    %add3A_936 = vector.broadcast %add3A_935 : i32 to vector<16xi32>
    %add3A_937 = arith.addi %mul3A_667, %add3A_936 : vector<16xi32>
    tpu.vector_store_idx %arg7[%shift_right_logical3A_661, %add3A_937], %gather3A_934 : memref<16x128xf32, #tpu.memory_space<vmem>>[vector<16xi32>, vector<16xi32>], vector<16xf32>,
    %mul3A_938 = arith.constant 0 : i32
    %mul3A_939 = vector.broadcast %mul3A_938 : i32 to vector<16xi32>
    %mul3A_940 = arith.muli %iota3A, %mul3A_939 : vector<16xi32>
    %add3A_941 = arith.constant 27 : i32
    %add3A_942 = vector.broadcast %add3A_941 : i32 to vector<16xi32>
    %add3A_943 = arith.addi %mul3A_940, %add3A_942 : vector<16xi32>
    %gather3A_944 = tpu.vector_load_idx %arg6[%add3A_658, %add3A_943] : memref<32x128xf32, #tpu.memory_space<vmem>>[vector<16xi32>, vector<16xi32>], vector<16xf32>,
    %add3A_945 = arith.constant 27 : i32
    %add3A_946 = vector.broadcast %add3A_945 : i32 to vector<16xi32>
    %add3A_947 = arith.addi %mul3A_667, %add3A_946 : vector<16xi32>
    tpu.vector_store_idx %arg7[%shift_right_logical3A_661, %add3A_947], %gather3A_944 : memref<16x128xf32, #tpu.memory_space<vmem>>[vector<16xi32>, vector<16xi32>], vector<16xf32>,
    %mul3A_948 = arith.constant 0 : i32
    %mul3A_949 = vector.broadcast %mul3A_948 : i32 to vector<16xi32>
    %mul3A_950 = arith.muli %iota3A, %mul3A_949 : vector<16xi32>
    %add3A_951 = arith.constant 28 : i32
    %add3A_952 = vector.broadcast %add3A_951 : i32 to vector<16xi32>
    %add3A_953 = arith.addi %mul3A_950, %add3A_952 : vector<16xi32>
    %gather3A_954 = tpu.vector_load_idx %arg6[%add3A_658, %add3A_953] : memref<32x128xf32, #tpu.memory_space<vmem>>[vector<16xi32>, vector<16xi32>], vector<16xf32>,
    %add3A_955 = arith.constant 28 : i32
    %add3A_956 = vector.broadcast %add3A_955 : i32 to vector<16xi32>
    %add3A_957 = arith.addi %mul3A_667, %add3A_956 : vector<16xi32>
    tpu.vector_store_idx %arg7[%shift_right_logical3A_661, %add3A_957], %gather3A_954 : memref<16x128xf32, #tpu.memory_space<vmem>>[vector<16xi32>, vector<16xi32>], vector<16xf32>,
    %mul3A_958 = arith.constant 0 : i32
    %mul3A_959 = vector.broadcast %mul3A_958 : i32 to vector<16xi32>
    %mul3A_960 = arith.muli %iota3A, %mul3A_959 : vector<16xi32>
    %add3A_961 = arith.constant 29 : i32
    %add3A_962 = vector.broadcast %add3A_961 : i32 to vector<16xi32>
    %add3A_963 = arith.addi %mul3A_960, %add3A_962 : vector<16xi32>
    %gather3A_964 = tpu.vector_load_idx %arg6[%add3A_658, %add3A_963] : memref<32x128xf32, #tpu.memory_space<vmem>>[vector<16xi32>, vector<16xi32>], vector<16xf32>,
    %add3A_965 = arith.constant 29 : i32
    %add3A_966 = vector.broadcast %add3A_965 : i32 to vector<16xi32>
    %add3A_967 = arith.addi %mul3A_667, %add3A_966 : vector<16xi32>
    tpu.vector_store_idx %arg7[%shift_right_logical3A_661, %add3A_967], %gather3A_964 : memref<16x128xf32, #tpu.memory_space<vmem>>[vector<16xi32>, vector<16xi32>], vector<16xf32>,
    %mul3A_968 = arith.constant 0 : i32
    %mul3A_969 = vector.broadcast %mul3A_968 : i32 to vector<16xi32>
    %mul3A_970 = arith.muli %iota3A, %mul3A_969 : vector<16xi32>
    %add3A_971 = arith.constant 30 : i32
    %add3A_972 = vector.broadcast %add3A_971 : i32 to vector<16xi32>
    %add3A_973 = arith.addi %mul3A_970, %add3A_972 : vector<16xi32>
    %gather3A_974 = tpu.vector_load_idx %arg6[%add3A_658, %add3A_973] : memref<32x128xf32, #tpu.memory_space<vmem>>[vector<16xi32>, vector<16xi32>], vector<16xf32>,
    %add3A_975 = arith.constant 30 : i32
    %add3A_976 = vector.broadcast %add3A_975 : i32 to vector<16xi32>
    %add3A_977 = arith.addi %mul3A_667, %add3A_976 : vector<16xi32>
    tpu.vector_store_idx %arg7[%shift_right_logical3A_661, %add3A_977], %gather3A_974 : memref<16x128xf32, #tpu.memory_space<vmem>>[vector<16xi32>, vector<16xi32>], vector<16xf32>,
    %mul3A_978 = arith.constant 0 : i32
    %mul3A_979 = vector.broadcast %mul3A_978 : i32 to vector<16xi32>
    %mul3A_980 = arith.muli %iota3A, %mul3A_979 : vector<16xi32>
    %add3A_981 = arith.constant 31 : i32
    %add3A_982 = vector.broadcast %add3A_981 : i32 to vector<16xi32>
    %add3A_983 = arith.addi %mul3A_980, %add3A_982 : vector<16xi32>
    %gather3A_984 = tpu.vector_load_idx %arg6[%add3A_658, %add3A_983] : memref<32x128xf32, #tpu.memory_space<vmem>>[vector<16xi32>, vector<16xi32>], vector<16xf32>,
    %add3A_985 = arith.constant 31 : i32
    %add3A_986 = vector.broadcast %add3A_985 : i32 to vector<16xi32>
    %add3A_987 = arith.addi %mul3A_667, %add3A_986 : vector<16xi32>
    tpu.vector_store_idx %arg7[%shift_right_logical3A_661, %add3A_987], %gather3A_984 : memref<16x128xf32, #tpu.memory_space<vmem>>[vector<16xi32>, vector<16xi32>], vector<16xf32>,
    %mul3A_988 = arith.constant 0 : i32
    %mul3A_989 = vector.broadcast %mul3A_988 : i32 to vector<16xi32>
    %mul3A_990 = arith.muli %iota3A, %mul3A_989 : vector<16xi32>
    %add3A_991 = arith.constant 32 : i32
    %add3A_992 = vector.broadcast %add3A_991 : i32 to vector<16xi32>
    %add3A_993 = arith.addi %mul3A_990, %add3A_992 : vector<16xi32>
    %gather3A_994 = tpu.vector_load_idx %arg6[%add3A_658, %add3A_993] : memref<32x128xf32, #tpu.memory_space<vmem>>[vector<16xi32>, vector<16xi32>], vector<16xf32>,
    %add3A_995 = arith.constant 32 : i32
    %add3A_996 = vector.broadcast %add3A_995 : i32 to vector<16xi32>
    %add3A_997 = arith.addi %mul3A_667, %add3A_996 : vector<16xi32>
    tpu.vector_store_idx %arg7[%shift_right_logical3A_661, %add3A_997], %gather3A_994 : memref<16x128xf32, #tpu.memory_space<vmem>>[vector<16xi32>, vector<16xi32>], vector<16xf32>,
    %mul3A_998 = arith.constant 0 : i32
    %mul3A_999 = vector.broadcast %mul3A_998 : i32 to vector<16xi32>
    %mul3A_1000 = arith.muli %iota3A, %mul3A_999 : vector<16xi32>
    %add3A_1001 = arith.constant 33 : i32
    %add3A_1002 = vector.broadcast %add3A_1001 : i32 to vector<16xi32>
    %add3A_1003 = arith.addi %mul3A_1000, %add3A_1002 : vector<16xi32>
    %gather3A_1004 = tpu.vector_load_idx %arg6[%add3A_658, %add3A_1003] : memref<32x128xf32, #tpu.memory_space<vmem>>[vector<16xi32>, vector<16xi32>], vector<16xf32>,
    %add3A_1005 = arith.constant 33 : i32
    %add3A_1006 = vector.broadcast %add3A_1005 : i32 to vector<16xi32>
    %add3A_1007 = arith.addi %mul3A_667, %add3A_1006 : vector<16xi32>
    tpu.vector_store_idx %arg7[%shift_right_logical3A_661, %add3A_1007], %gather3A_1004 : memref<16x128xf32, #tpu.memory_space<vmem>>[vector<16xi32>, vector<16xi32>], vector<16xf32>,
    %mul3A_1008 = arith.constant 0 : i32
    %mul3A_1009 = vector.broadcast %mul3A_1008 : i32 to vector<16xi32>
    %mul3A_1010 = arith.muli %iota3A, %mul3A_1009 : vector<16xi32>
    %add3A_1011 = arith.constant 34 : i32
    %add3A_1012 = vector.broadcast %add3A_1011 : i32 to vector<16xi32>
    %add3A_1013 = arith.addi %mul3A_1010, %add3A_1012 : vector<16xi32>
    %gather3A_1014 = tpu.vector_load_idx %arg6[%add3A_658, %add3A_1013] : memref<32x128xf32, #tpu.memory_space<vmem>>[vector<16xi32>, vector<16xi32>], vector<16xf32>,
    %add3A_1015 = arith.constant 34 : i32
    %add3A_1016 = vector.broadcast %add3A_1015 : i32 to vector<16xi32>
    %add3A_1017 = arith.addi %mul3A_667, %add3A_1016 : vector<16xi32>
    tpu.vector_store_idx %arg7[%shift_right_logical3A_661, %add3A_1017], %gather3A_1014 : memref<16x128xf32, #tpu.memory_space<vmem>>[vector<16xi32>, vector<16xi32>], vector<16xf32>,
    %mul3A_1018 = arith.constant 0 : i32
    %mul3A_1019 = vector.broadcast %mul3A_1018 : i32 to vector<16xi32>
    %mul3A_1020 = arith.muli %iota3A, %mul3A_1019 : vector<16xi32>
    %add3A_1021 = arith.constant 35 : i32
    %add3A_1022 = vector.broadcast %add3A_1021 : i32 to vector<16xi32>
    %add3A_1023 = arith.addi %mul3A_1020, %add3A_1022 : vector<16xi32>
    %gather3A_1024 = tpu.vector_load_idx %arg6[%add3A_658, %add3A_1023] : memref<32x128xf32, #tpu.memory_space<vmem>>[vector<16xi32>, vector<16xi32>], vector<16xf32>,
    %add3A_1025 = arith.constant 35 : i32
    %add3A_1026 = vector.broadcast %add3A_1025 : i32 to vector<16xi32>
    %add3A_1027 = arith.addi %mul3A_667, %add3A_1026 : vector<16xi32>
    tpu.vector_store_idx %arg7[%shift_right_logical3A_661, %add3A_1027], %gather3A_1024 : memref<16x128xf32, #tpu.memory_space<vmem>>[vector<16xi32>, vector<16xi32>], vector<16xf32>,
    %mul3A_1028 = arith.constant 0 : i32
    %mul3A_1029 = vector.broadcast %mul3A_1028 : i32 to vector<16xi32>
    %mul3A_1030 = arith.muli %iota3A, %mul3A_1029 : vector<16xi32>
    %add3A_1031 = arith.constant 36 : i32
    %add3A_1032 = vector.broadcast %add3A_1031 : i32 to vector<16xi32>
    %add3A_1033 = arith.addi %mul3A_1030, %add3A_1032 : vector<16xi32>
    %gather3A_1034 = tpu.vector_load_idx %arg6[%add3A_658, %add3A_1033] : memref<32x128xf32, #tpu.memory_space<vmem>>[vector<16xi32>, vector<16xi32>], vector<16xf32>,
    %add3A_1035 = arith.constant 36 : i32
    %add3A_1036 = vector.broadcast %add3A_1035 : i32 to vector<16xi32>
    %add3A_1037 = arith.addi %mul3A_667, %add3A_1036 : vector<16xi32>
    tpu.vector_store_idx %arg7[%shift_right_logical3A_661, %add3A_1037], %gather3A_1034 : memref<16x128xf32, #tpu.memory_space<vmem>>[vector<16xi32>, vector<16xi32>], vector<16xf32>,
    %mul3A_1038 = arith.constant 0 : i32
    %mul3A_1039 = vector.broadcast %mul3A_1038 : i32 to vector<16xi32>
    %mul3A_1040 = arith.muli %iota3A, %mul3A_1039 : vector<16xi32>
    %add3A_1041 = arith.constant 37 : i32
    %add3A_1042 = vector.broadcast %add3A_1041 : i32 to vector<16xi32>
    %add3A_1043 = arith.addi %mul3A_1040, %add3A_1042 : vector<16xi32>
    %gather3A_1044 = tpu.vector_load_idx %arg6[%add3A_658, %add3A_1043] : memref<32x128xf32, #tpu.memory_space<vmem>>[vector<16xi32>, vector<16xi32>], vector<16xf32>,
    %add3A_1045 = arith.constant 37 : i32
    %add3A_1046 = vector.broadcast %add3A_1045 : i32 to vector<16xi32>
    %add3A_1047 = arith.addi %mul3A_667, %add3A_1046 : vector<16xi32>
    tpu.vector_store_idx %arg7[%shift_right_logical3A_661, %add3A_1047], %gather3A_1044 : memref<16x128xf32, #tpu.memory_space<vmem>>[vector<16xi32>, vector<16xi32>], vector<16xf32>,
    %mul3A_1048 = arith.constant 0 : i32
    %mul3A_1049 = vector.broadcast %mul3A_1048 : i32 to vector<16xi32>
    %mul3A_1050 = arith.muli %iota3A, %mul3A_1049 : vector<16xi32>
    %add3A_1051 = arith.constant 38 : i32
    %add3A_1052 = vector.broadcast %add3A_1051 : i32 to vector<16xi32>
    %add3A_1053 = arith.addi %mul3A_1050, %add3A_1052 : vector<16xi32>
    %gather3A_1054 = tpu.vector_load_idx %arg6[%add3A_658, %add3A_1053] : memref<32x128xf32, #tpu.memory_space<vmem>>[vector<16xi32>, vector<16xi32>], vector<16xf32>,
    %add3A_1055 = arith.constant 38 : i32
    %add3A_1056 = vector.broadcast %add3A_1055 : i32 to vector<16xi32>
    %add3A_1057 = arith.addi %mul3A_667, %add3A_1056 : vector<16xi32>
    tpu.vector_store_idx %arg7[%shift_right_logical3A_661, %add3A_1057], %gather3A_1054 : memref<16x128xf32, #tpu.memory_space<vmem>>[vector<16xi32>, vector<16xi32>], vector<16xf32>,
    %mul3A_1058 = arith.constant 0 : i32
    %mul3A_1059 = vector.broadcast %mul3A_1058 : i32 to vector<16xi32>
    %mul3A_1060 = arith.muli %iota3A, %mul3A_1059 : vector<16xi32>
    %add3A_1061 = arith.constant 39 : i32
    %add3A_1062 = vector.broadcast %add3A_1061 : i32 to vector<16xi32>
    %add3A_1063 = arith.addi %mul3A_1060, %add3A_1062 : vector<16xi32>
    %gather3A_1064 = tpu.vector_load_idx %arg6[%add3A_658, %add3A_1063] : memref<32x128xf32, #tpu.memory_space<vmem>>[vector<16xi32>, vector<16xi32>], vector<16xf32>,
    %add3A_1065 = arith.constant 39 : i32
    %add3A_1066 = vector.broadcast %add3A_1065 : i32 to vector<16xi32>
    %add3A_1067 = arith.addi %mul3A_667, %add3A_1066 : vector<16xi32>
    tpu.vector_store_idx %arg7[%shift_right_logical3A_661, %add3A_1067], %gather3A_1064 : memref<16x128xf32, #tpu.memory_space<vmem>>[vector<16xi32>, vector<16xi32>], vector<16xf32>,
    %mul3A_1068 = arith.constant 0 : i32
    %mul3A_1069 = vector.broadcast %mul3A_1068 : i32 to vector<16xi32>
    %mul3A_1070 = arith.muli %iota3A, %mul3A_1069 : vector<16xi32>
    %add3A_1071 = arith.constant 40 : i32
    %add3A_1072 = vector.broadcast %add3A_1071 : i32 to vector<16xi32>
    %add3A_1073 = arith.addi %mul3A_1070, %add3A_1072 : vector<16xi32>
    %gather3A_1074 = tpu.vector_load_idx %arg6[%add3A_658, %add3A_1073] : memref<32x128xf32, #tpu.memory_space<vmem>>[vector<16xi32>, vector<16xi32>], vector<16xf32>,
    %add3A_1075 = arith.constant 40 : i32
    %add3A_1076 = vector.broadcast %add3A_1075 : i32 to vector<16xi32>
    %add3A_1077 = arith.addi %mul3A_667, %add3A_1076 : vector<16xi32>
    tpu.vector_store_idx %arg7[%shift_right_logical3A_661, %add3A_1077], %gather3A_1074 : memref<16x128xf32, #tpu.memory_space<vmem>>[vector<16xi32>, vector<16xi32>], vector<16xf32>,
    %mul3A_1078 = arith.constant 0 : i32
    %mul3A_1079 = vector.broadcast %mul3A_1078 : i32 to vector<16xi32>
    %mul3A_1080 = arith.muli %iota3A, %mul3A_1079 : vector<16xi32>
    %add3A_1081 = arith.constant 41 : i32
    %add3A_1082 = vector.broadcast %add3A_1081 : i32 to vector<16xi32>
    %add3A_1083 = arith.addi %mul3A_1080, %add3A_1082 : vector<16xi32>
    %gather3A_1084 = tpu.vector_load_idx %arg6[%add3A_658, %add3A_1083] : memref<32x128xf32, #tpu.memory_space<vmem>>[vector<16xi32>, vector<16xi32>], vector<16xf32>,
    %add3A_1085 = arith.constant 41 : i32
    %add3A_1086 = vector.broadcast %add3A_1085 : i32 to vector<16xi32>
    %add3A_1087 = arith.addi %mul3A_667, %add3A_1086 : vector<16xi32>
    tpu.vector_store_idx %arg7[%shift_right_logical3A_661, %add3A_1087], %gather3A_1084 : memref<16x128xf32, #tpu.memory_space<vmem>>[vector<16xi32>, vector<16xi32>], vector<16xf32>,
    %mul3A_1088 = arith.constant 0 : i32
    %mul3A_1089 = vector.broadcast %mul3A_1088 : i32 to vector<16xi32>
    %mul3A_1090 = arith.muli %iota3A, %mul3A_1089 : vector<16xi32>
    %add3A_1091 = arith.constant 42 : i32
    %add3A_1092 = vector.broadcast %add3A_1091 : i32 to vector<16xi32>
    %add3A_1093 = arith.addi %mul3A_1090, %add3A_1092 : vector<16xi32>
    %gather3A_1094 = tpu.vector_load_idx %arg6[%add3A_658, %add3A_1093] : memref<32x128xf32, #tpu.memory_space<vmem>>[vector<16xi32>, vector<16xi32>], vector<16xf32>,
    %add3A_1095 = arith.constant 42 : i32
    %add3A_1096 = vector.broadcast %add3A_1095 : i32 to vector<16xi32>
    %add3A_1097 = arith.addi %mul3A_667, %add3A_1096 : vector<16xi32>
    tpu.vector_store_idx %arg7[%shift_right_logical3A_661, %add3A_1097], %gather3A_1094 : memref<16x128xf32, #tpu.memory_space<vmem>>[vector<16xi32>, vector<16xi32>], vector<16xf32>,
    %mul3A_1098 = arith.constant 0 : i32
    %mul3A_1099 = vector.broadcast %mul3A_1098 : i32 to vector<16xi32>
    %mul3A_1100 = arith.muli %iota3A, %mul3A_1099 : vector<16xi32>
    %add3A_1101 = arith.constant 43 : i32
    %add3A_1102 = vector.broadcast %add3A_1101 : i32 to vector<16xi32>
    %add3A_1103 = arith.addi %mul3A_1100, %add3A_1102 : vector<16xi32>
    %gather3A_1104 = tpu.vector_load_idx %arg6[%add3A_658, %add3A_1103] : memref<32x128xf32, #tpu.memory_space<vmem>>[vector<16xi32>, vector<16xi32>], vector<16xf32>,
    %add3A_1105 = arith.constant 43 : i32
    %add3A_1106 = vector.broadcast %add3A_1105 : i32 to vector<16xi32>
    %add3A_1107 = arith.addi %mul3A_667, %add3A_1106 : vector<16xi32>
    tpu.vector_store_idx %arg7[%shift_right_logical3A_661, %add3A_1107], %gather3A_1104 : memref<16x128xf32, #tpu.memory_space<vmem>>[vector<16xi32>, vector<16xi32>], vector<16xf32>,
    %mul3A_1108 = arith.constant 0 : i32
    %mul3A_1109 = vector.broadcast %mul3A_1108 : i32 to vector<16xi32>
    %mul3A_1110 = arith.muli %iota3A, %mul3A_1109 : vector<16xi32>
    %add3A_1111 = arith.constant 44 : i32
    %add3A_1112 = vector.broadcast %add3A_1111 : i32 to vector<16xi32>
    %add3A_1113 = arith.addi %mul3A_1110, %add3A_1112 : vector<16xi32>
    %gather3A_1114 = tpu.vector_load_idx %arg6[%add3A_658, %add3A_1113] : memref<32x128xf32, #tpu.memory_space<vmem>>[vector<16xi32>, vector<16xi32>], vector<16xf32>,
    %add3A_1115 = arith.constant 44 : i32
    %add3A_1116 = vector.broadcast %add3A_1115 : i32 to vector<16xi32>
    %add3A_1117 = arith.addi %mul3A_667, %add3A_1116 : vector<16xi32>
    tpu.vector_store_idx %arg7[%shift_right_logical3A_661, %add3A_1117], %gather3A_1114 : memref<16x128xf32, #tpu.memory_space<vmem>>[vector<16xi32>, vector<16xi32>], vector<16xf32>,
    %mul3A_1118 = arith.constant 0 : i32
    %mul3A_1119 = vector.broadcast %mul3A_1118 : i32 to vector<16xi32>
    %mul3A_1120 = arith.muli %iota3A, %mul3A_1119 : vector<16xi32>
    %add3A_1121 = arith.constant 45 : i32
    %add3A_1122 = vector.broadcast %add3A_1121 : i32 to vector<16xi32>
    %add3A_1123 = arith.addi %mul3A_1120, %add3A_1122 : vector<16xi32>
    %gather3A_1124 = tpu.vector_load_idx %arg6[%add3A_658, %add3A_1123] : memref<32x128xf32, #tpu.memory_space<vmem>>[vector<16xi32>, vector<16xi32>], vector<16xf32>,
    %add3A_1125 = arith.constant 45 : i32
    %add3A_1126 = vector.broadcast %add3A_1125 : i32 to vector<16xi32>
    %add3A_1127 = arith.addi %mul3A_667, %add3A_1126 : vector<16xi32>
    tpu.vector_store_idx %arg7[%shift_right_logical3A_661, %add3A_1127], %gather3A_1124 : memref<16x128xf32, #tpu.memory_space<vmem>>[vector<16xi32>, vector<16xi32>], vector<16xf32>,
    %mul3A_1128 = arith.constant 0 : i32
    %mul3A_1129 = vector.broadcast %mul3A_1128 : i32 to vector<16xi32>
    %mul3A_1130 = arith.muli %iota3A, %mul3A_1129 : vector<16xi32>
    %add3A_1131 = arith.constant 46 : i32
    %add3A_1132 = vector.broadcast %add3A_1131 : i32 to vector<16xi32>
    %add3A_1133 = arith.addi %mul3A_1130, %add3A_1132 : vector<16xi32>
    %gather3A_1134 = tpu.vector_load_idx %arg6[%add3A_658, %add3A_1133] : memref<32x128xf32, #tpu.memory_space<vmem>>[vector<16xi32>, vector<16xi32>], vector<16xf32>,
    %add3A_1135 = arith.constant 46 : i32
    %add3A_1136 = vector.broadcast %add3A_1135 : i32 to vector<16xi32>
    %add3A_1137 = arith.addi %mul3A_667, %add3A_1136 : vector<16xi32>
    tpu.vector_store_idx %arg7[%shift_right_logical3A_661, %add3A_1137], %gather3A_1134 : memref<16x128xf32, #tpu.memory_space<vmem>>[vector<16xi32>, vector<16xi32>], vector<16xf32>,
    %mul3A_1138 = arith.constant 0 : i32
    %mul3A_1139 = vector.broadcast %mul3A_1138 : i32 to vector<16xi32>
    %mul3A_1140 = arith.muli %iota3A, %mul3A_1139 : vector<16xi32>
    %add3A_1141 = arith.constant 47 : i32
    %add3A_1142 = vector.broadcast %add3A_1141 : i32 to vector<16xi32>
    %add3A_1143 = arith.addi %mul3A_1140, %add3A_1142 : vector<16xi32>
    %gather3A_1144 = tpu.vector_load_idx %arg6[%add3A_658, %add3A_1143] : memref<32x128xf32, #tpu.memory_space<vmem>>[vector<16xi32>, vector<16xi32>], vector<16xf32>,
    %add3A_1145 = arith.constant 47 : i32
    %add3A_1146 = vector.broadcast %add3A_1145 : i32 to vector<16xi32>
    %add3A_1147 = arith.addi %mul3A_667, %add3A_1146 : vector<16xi32>
    tpu.vector_store_idx %arg7[%shift_right_logical3A_661, %add3A_1147], %gather3A_1144 : memref<16x128xf32, #tpu.memory_space<vmem>>[vector<16xi32>, vector<16xi32>], vector<16xf32>,
    %mul3A_1148 = arith.constant 0 : i32
    %mul3A_1149 = vector.broadcast %mul3A_1148 : i32 to vector<16xi32>
    %mul3A_1150 = arith.muli %iota3A, %mul3A_1149 : vector<16xi32>
    %add3A_1151 = arith.constant 48 : i32
    %add3A_1152 = vector.broadcast %add3A_1151 : i32 to vector<16xi32>
    %add3A_1153 = arith.addi %mul3A_1150, %add3A_1152 : vector<16xi32>
    %gather3A_1154 = tpu.vector_load_idx %arg6[%add3A_658, %add3A_1153] : memref<32x128xf32, #tpu.memory_space<vmem>>[vector<16xi32>, vector<16xi32>], vector<16xf32>,
    %add3A_1155 = arith.constant 48 : i32
    %add3A_1156 = vector.broadcast %add3A_1155 : i32 to vector<16xi32>
    %add3A_1157 = arith.addi %mul3A_667, %add3A_1156 : vector<16xi32>
    tpu.vector_store_idx %arg7[%shift_right_logical3A_661, %add3A_1157], %gather3A_1154 : memref<16x128xf32, #tpu.memory_space<vmem>>[vector<16xi32>, vector<16xi32>], vector<16xf32>,
    %mul3A_1158 = arith.constant 0 : i32
    %mul3A_1159 = vector.broadcast %mul3A_1158 : i32 to vector<16xi32>
    %mul3A_1160 = arith.muli %iota3A, %mul3A_1159 : vector<16xi32>
    %add3A_1161 = arith.constant 49 : i32
    %add3A_1162 = vector.broadcast %add3A_1161 : i32 to vector<16xi32>
    %add3A_1163 = arith.addi %mul3A_1160, %add3A_1162 : vector<16xi32>
    %gather3A_1164 = tpu.vector_load_idx %arg6[%add3A_658, %add3A_1163] : memref<32x128xf32, #tpu.memory_space<vmem>>[vector<16xi32>, vector<16xi32>], vector<16xf32>,
    %add3A_1165 = arith.constant 49 : i32
    %add3A_1166 = vector.broadcast %add3A_1165 : i32 to vector<16xi32>
    %add3A_1167 = arith.addi %mul3A_667, %add3A_1166 : vector<16xi32>
    tpu.vector_store_idx %arg7[%shift_right_logical3A_661, %add3A_1167], %gather3A_1164 : memref<16x128xf32, #tpu.memory_space<vmem>>[vector<16xi32>, vector<16xi32>], vector<16xf32>,
    %mul3A_1168 = arith.constant 0 : i32
    %mul3A_1169 = vector.broadcast %mul3A_1168 : i32 to vector<16xi32>
    %mul3A_1170 = arith.muli %iota3A, %mul3A_1169 : vector<16xi32>
    %add3A_1171 = arith.constant 50 : i32
    %add3A_1172 = vector.broadcast %add3A_1171 : i32 to vector<16xi32>
    %add3A_1173 = arith.addi %mul3A_1170, %add3A_1172 : vector<16xi32>
    %gather3A_1174 = tpu.vector_load_idx %arg6[%add3A_658, %add3A_1173] : memref<32x128xf32, #tpu.memory_space<vmem>>[vector<16xi32>, vector<16xi32>], vector<16xf32>,
    %add3A_1175 = arith.constant 50 : i32
    %add3A_1176 = vector.broadcast %add3A_1175 : i32 to vector<16xi32>
    %add3A_1177 = arith.addi %mul3A_667, %add3A_1176 : vector<16xi32>
    tpu.vector_store_idx %arg7[%shift_right_logical3A_661, %add3A_1177], %gather3A_1174 : memref<16x128xf32, #tpu.memory_space<vmem>>[vector<16xi32>, vector<16xi32>], vector<16xf32>,
    %mul3A_1178 = arith.constant 0 : i32
    %mul3A_1179 = vector.broadcast %mul3A_1178 : i32 to vector<16xi32>
    %mul3A_1180 = arith.muli %iota3A, %mul3A_1179 : vector<16xi32>
    %add3A_1181 = arith.constant 51 : i32
    %add3A_1182 = vector.broadcast %add3A_1181 : i32 to vector<16xi32>
    %add3A_1183 = arith.addi %mul3A_1180, %add3A_1182 : vector<16xi32>
    %gather3A_1184 = tpu.vector_load_idx %arg6[%add3A_658, %add3A_1183] : memref<32x128xf32, #tpu.memory_space<vmem>>[vector<16xi32>, vector<16xi32>], vector<16xf32>,
    %add3A_1185 = arith.constant 51 : i32
    %add3A_1186 = vector.broadcast %add3A_1185 : i32 to vector<16xi32>
    %add3A_1187 = arith.addi %mul3A_667, %add3A_1186 : vector<16xi32>
    tpu.vector_store_idx %arg7[%shift_right_logical3A_661, %add3A_1187], %gather3A_1184 : memref<16x128xf32, #tpu.memory_space<vmem>>[vector<16xi32>, vector<16xi32>], vector<16xf32>,
    %mul3A_1188 = arith.constant 0 : i32
    %mul3A_1189 = vector.broadcast %mul3A_1188 : i32 to vector<16xi32>
    %mul3A_1190 = arith.muli %iota3A, %mul3A_1189 : vector<16xi32>
    %add3A_1191 = arith.constant 52 : i32
    %add3A_1192 = vector.broadcast %add3A_1191 : i32 to vector<16xi32>
    %add3A_1193 = arith.addi %mul3A_1190, %add3A_1192 : vector<16xi32>
    %gather3A_1194 = tpu.vector_load_idx %arg6[%add3A_658, %add3A_1193] : memref<32x128xf32, #tpu.memory_space<vmem>>[vector<16xi32>, vector<16xi32>], vector<16xf32>,
    %add3A_1195 = arith.constant 52 : i32
    %add3A_1196 = vector.broadcast %add3A_1195 : i32 to vector<16xi32>
    %add3A_1197 = arith.addi %mul3A_667, %add3A_1196 : vector<16xi32>
    tpu.vector_store_idx %arg7[%shift_right_logical3A_661, %add3A_1197], %gather3A_1194 : memref<16x128xf32, #tpu.memory_space<vmem>>[vector<16xi32>, vector<16xi32>], vector<16xf32>,
    %mul3A_1198 = arith.constant 0 : i32
    %mul3A_1199 = vector.broadcast %mul3A_1198 : i32 to vector<16xi32>
    %mul3A_1200 = arith.muli %iota3A, %mul3A_1199 : vector<16xi32>
    %add3A_1201 = arith.constant 53 : i32
    %add3A_1202 = vector.broadcast %add3A_1201 : i32 to vector<16xi32>
    %add3A_1203 = arith.addi %mul3A_1200, %add3A_1202 : vector<16xi32>
    %gather3A_1204 = tpu.vector_load_idx %arg6[%add3A_658, %add3A_1203] : memref<32x128xf32, #tpu.memory_space<vmem>>[vector<16xi32>, vector<16xi32>], vector<16xf32>,
    %add3A_1205 = arith.constant 53 : i32
    %add3A_1206 = vector.broadcast %add3A_1205 : i32 to vector<16xi32>
    %add3A_1207 = arith.addi %mul3A_667, %add3A_1206 : vector<16xi32>
    tpu.vector_store_idx %arg7[%shift_right_logical3A_661, %add3A_1207], %gather3A_1204 : memref<16x128xf32, #tpu.memory_space<vmem>>[vector<16xi32>, vector<16xi32>], vector<16xf32>,
    %mul3A_1208 = arith.constant 0 : i32
    %mul3A_1209 = vector.broadcast %mul3A_1208 : i32 to vector<16xi32>
    %mul3A_1210 = arith.muli %iota3A, %mul3A_1209 : vector<16xi32>
    %add3A_1211 = arith.constant 54 : i32
    %add3A_1212 = vector.broadcast %add3A_1211 : i32 to vector<16xi32>
    %add3A_1213 = arith.addi %mul3A_1210, %add3A_1212 : vector<16xi32>
    %gather3A_1214 = tpu.vector_load_idx %arg6[%add3A_658, %add3A_1213] : memref<32x128xf32, #tpu.memory_space<vmem>>[vector<16xi32>, vector<16xi32>], vector<16xf32>,
    %add3A_1215 = arith.constant 54 : i32
    %add3A_1216 = vector.broadcast %add3A_1215 : i32 to vector<16xi32>
    %add3A_1217 = arith.addi %mul3A_667, %add3A_1216 : vector<16xi32>
    tpu.vector_store_idx %arg7[%shift_right_logical3A_661, %add3A_1217], %gather3A_1214 : memref<16x128xf32, #tpu.memory_space<vmem>>[vector<16xi32>, vector<16xi32>], vector<16xf32>,
    %mul3A_1218 = arith.constant 0 : i32
    %mul3A_1219 = vector.broadcast %mul3A_1218 : i32 to vector<16xi32>
    %mul3A_1220 = arith.muli %iota3A, %mul3A_1219 : vector<16xi32>
    %add3A_1221 = arith.constant 55 : i32
    %add3A_1222 = vector.broadcast %add3A_1221 : i32 to vector<16xi32>
    %add3A_1223 = arith.addi %mul3A_1220, %add3A_1222 : vector<16xi32>
    %gather3A_1224 = tpu.vector_load_idx %arg6[%add3A_658, %add3A_1223] : memref<32x128xf32, #tpu.memory_space<vmem>>[vector<16xi32>, vector<16xi32>], vector<16xf32>,
    %add3A_1225 = arith.constant 55 : i32
    %add3A_1226 = vector.broadcast %add3A_1225 : i32 to vector<16xi32>
    %add3A_1227 = arith.addi %mul3A_667, %add3A_1226 : vector<16xi32>
    tpu.vector_store_idx %arg7[%shift_right_logical3A_661, %add3A_1227], %gather3A_1224 : memref<16x128xf32, #tpu.memory_space<vmem>>[vector<16xi32>, vector<16xi32>], vector<16xf32>,
    %mul3A_1228 = arith.constant 0 : i32
    %mul3A_1229 = vector.broadcast %mul3A_1228 : i32 to vector<16xi32>
    %mul3A_1230 = arith.muli %iota3A, %mul3A_1229 : vector<16xi32>
    %add3A_1231 = arith.constant 56 : i32
    %add3A_1232 = vector.broadcast %add3A_1231 : i32 to vector<16xi32>
    %add3A_1233 = arith.addi %mul3A_1230, %add3A_1232 : vector<16xi32>
    %gather3A_1234 = tpu.vector_load_idx %arg6[%add3A_658, %add3A_1233] : memref<32x128xf32, #tpu.memory_space<vmem>>[vector<16xi32>, vector<16xi32>], vector<16xf32>,
    %add3A_1235 = arith.constant 56 : i32
    %add3A_1236 = vector.broadcast %add3A_1235 : i32 to vector<16xi32>
    %add3A_1237 = arith.addi %mul3A_667, %add3A_1236 : vector<16xi32>
    tpu.vector_store_idx %arg7[%shift_right_logical3A_661, %add3A_1237], %gather3A_1234 : memref<16x128xf32, #tpu.memory_space<vmem>>[vector<16xi32>, vector<16xi32>], vector<16xf32>,
    %mul3A_1238 = arith.constant 0 : i32
    %mul3A_1239 = vector.broadcast %mul3A_1238 : i32 to vector<16xi32>
    %mul3A_1240 = arith.muli %iota3A, %mul3A_1239 : vector<16xi32>
    %add3A_1241 = arith.constant 57 : i32
    %add3A_1242 = vector.broadcast %add3A_1241 : i32 to vector<16xi32>
    %add3A_1243 = arith.addi %mul3A_1240, %add3A_1242 : vector<16xi32>
    %gather3A_1244 = tpu.vector_load_idx %arg6[%add3A_658, %add3A_1243] : memref<32x128xf32, #tpu.memory_space<vmem>>[vector<16xi32>, vector<16xi32>], vector<16xf32>,
    %add3A_1245 = arith.constant 57 : i32
    %add3A_1246 = vector.broadcast %add3A_1245 : i32 to vector<16xi32>
    %add3A_1247 = arith.addi %mul3A_667, %add3A_1246 : vector<16xi32>
    tpu.vector_store_idx %arg7[%shift_right_logical3A_661, %add3A_1247], %gather3A_1244 : memref<16x128xf32, #tpu.memory_space<vmem>>[vector<16xi32>, vector<16xi32>], vector<16xf32>,
    %mul3A_1248 = arith.constant 0 : i32
    %mul3A_1249 = vector.broadcast %mul3A_1248 : i32 to vector<16xi32>
    %mul3A_1250 = arith.muli %iota3A, %mul3A_1249 : vector<16xi32>
    %add3A_1251 = arith.constant 58 : i32
    %add3A_1252 = vector.broadcast %add3A_1251 : i32 to vector<16xi32>
    %add3A_1253 = arith.addi %mul3A_1250, %add3A_1252 : vector<16xi32>
    %gather3A_1254 = tpu.vector_load_idx %arg6[%add3A_658, %add3A_1253] : memref<32x128xf32, #tpu.memory_space<vmem>>[vector<16xi32>, vector<16xi32>], vector<16xf32>,
    %add3A_1255 = arith.constant 58 : i32
    %add3A_1256 = vector.broadcast %add3A_1255 : i32 to vector<16xi32>
    %add3A_1257 = arith.addi %mul3A_667, %add3A_1256 : vector<16xi32>
    tpu.vector_store_idx %arg7[%shift_right_logical3A_661, %add3A_1257], %gather3A_1254 : memref<16x128xf32, #tpu.memory_space<vmem>>[vector<16xi32>, vector<16xi32>], vector<16xf32>,
    %mul3A_1258 = arith.constant 0 : i32
    %mul3A_1259 = vector.broadcast %mul3A_1258 : i32 to vector<16xi32>
    %mul3A_1260 = arith.muli %iota3A, %mul3A_1259 : vector<16xi32>
    %add3A_1261 = arith.constant 59 : i32
    %add3A_1262 = vector.broadcast %add3A_1261 : i32 to vector<16xi32>
    %add3A_1263 = arith.addi %mul3A_1260, %add3A_1262 : vector<16xi32>
    %gather3A_1264 = tpu.vector_load_idx %arg6[%add3A_658, %add3A_1263] : memref<32x128xf32, #tpu.memory_space<vmem>>[vector<16xi32>, vector<16xi32>], vector<16xf32>,
    %add3A_1265 = arith.constant 59 : i32
    %add3A_1266 = vector.broadcast %add3A_1265 : i32 to vector<16xi32>
    %add3A_1267 = arith.addi %mul3A_667, %add3A_1266 : vector<16xi32>
    tpu.vector_store_idx %arg7[%shift_right_logical3A_661, %add3A_1267], %gather3A_1264 : memref<16x128xf32, #tpu.memory_space<vmem>>[vector<16xi32>, vector<16xi32>], vector<16xf32>,
    %mul3A_1268 = arith.constant 0 : i32
    %mul3A_1269 = vector.broadcast %mul3A_1268 : i32 to vector<16xi32>
    %mul3A_1270 = arith.muli %iota3A, %mul3A_1269 : vector<16xi32>
    %add3A_1271 = arith.constant 60 : i32
    %add3A_1272 = vector.broadcast %add3A_1271 : i32 to vector<16xi32>
    %add3A_1273 = arith.addi %mul3A_1270, %add3A_1272 : vector<16xi32>
    %gather3A_1274 = tpu.vector_load_idx %arg6[%add3A_658, %add3A_1273] : memref<32x128xf32, #tpu.memory_space<vmem>>[vector<16xi32>, vector<16xi32>], vector<16xf32>,
    %add3A_1275 = arith.constant 60 : i32
    %add3A_1276 = vector.broadcast %add3A_1275 : i32 to vector<16xi32>
    %add3A_1277 = arith.addi %mul3A_667, %add3A_1276 : vector<16xi32>
    tpu.vector_store_idx %arg7[%shift_right_logical3A_661, %add3A_1277], %gather3A_1274 : memref<16x128xf32, #tpu.memory_space<vmem>>[vector<16xi32>, vector<16xi32>], vector<16xf32>,
    %mul3A_1278 = arith.constant 0 : i32
    %mul3A_1279 = vector.broadcast %mul3A_1278 : i32 to vector<16xi32>
    %mul3A_1280 = arith.muli %iota3A, %mul3A_1279 : vector<16xi32>
    %add3A_1281 = arith.constant 61 : i32
    %add3A_1282 = vector.broadcast %add3A_1281 : i32 to vector<16xi32>
    %add3A_1283 = arith.addi %mul3A_1280, %add3A_1282 : vector<16xi32>
    %gather3A_1284 = tpu.vector_load_idx %arg6[%add3A_658, %add3A_1283] : memref<32x128xf32, #tpu.memory_space<vmem>>[vector<16xi32>, vector<16xi32>], vector<16xf32>,
    %add3A_1285 = arith.constant 61 : i32
    %add3A_1286 = vector.broadcast %add3A_1285 : i32 to vector<16xi32>
    %add3A_1287 = arith.addi %mul3A_667, %add3A_1286 : vector<16xi32>
    tpu.vector_store_idx %arg7[%shift_right_logical3A_661, %add3A_1287], %gather3A_1284 : memref<16x128xf32, #tpu.memory_space<vmem>>[vector<16xi32>, vector<16xi32>], vector<16xf32>,
    %mul3A_1288 = arith.constant 0 : i32
    %mul3A_1289 = vector.broadcast %mul3A_1288 : i32 to vector<16xi32>
    %mul3A_1290 = arith.muli %iota3A, %mul3A_1289 : vector<16xi32>
    %add3A_1291 = arith.constant 62 : i32
    %add3A_1292 = vector.broadcast %add3A_1291 : i32 to vector<16xi32>
    %add3A_1293 = arith.addi %mul3A_1290, %add3A_1292 : vector<16xi32>
    %gather3A_1294 = tpu.vector_load_idx %arg6[%add3A_658, %add3A_1293] : memref<32x128xf32, #tpu.memory_space<vmem>>[vector<16xi32>, vector<16xi32>], vector<16xf32>,
    %add3A_1295 = arith.constant 62 : i32
    %add3A_1296 = vector.broadcast %add3A_1295 : i32 to vector<16xi32>
    %add3A_1297 = arith.addi %mul3A_667, %add3A_1296 : vector<16xi32>
    tpu.vector_store_idx %arg7[%shift_right_logical3A_661, %add3A_1297], %gather3A_1294 : memref<16x128xf32, #tpu.memory_space<vmem>>[vector<16xi32>, vector<16xi32>], vector<16xf32>,
    %mul3A_1298 = arith.constant 0 : i32
    %mul3A_1299 = vector.broadcast %mul3A_1298 : i32 to vector<16xi32>
    %mul3A_1300 = arith.muli %iota3A, %mul3A_1299 : vector<16xi32>
    %add3A_1301 = arith.constant 63 : i32
    %add3A_1302 = vector.broadcast %add3A_1301 : i32 to vector<16xi32>
    %add3A_1303 = arith.addi %mul3A_1300, %add3A_1302 : vector<16xi32>
    %gather3A_1304 = tpu.vector_load_idx %arg6[%add3A_658, %add3A_1303] : memref<32x128xf32, #tpu.memory_space<vmem>>[vector<16xi32>, vector<16xi32>], vector<16xf32>,
    %add3A_1305 = arith.constant 63 : i32
    %add3A_1306 = vector.broadcast %add3A_1305 : i32 to vector<16xi32>
    %add3A_1307 = arith.addi %mul3A_667, %add3A_1306 : vector<16xi32>
    tpu.vector_store_idx %arg7[%shift_right_logical3A_661, %add3A_1307], %gather3A_1304 : memref<16x128xf32, #tpu.memory_space<vmem>>[vector<16xi32>, vector<16xi32>], vector<16xf32>,
    %mul3A_1308 = arith.constant 16 : i32
    %mul3A_1309 = arith.muli %add3A, %mul3A_1308 : i32
    "tpu.region"() ({
      %run_scoped3A = tpu.sem_alloc : memref<!tpu.dma_semaphore, #tpu.memory_space<semaphore_mem>>
      %dma_start3A_1310 = arith.constant 0 : i32
      %dma_start3A_1311 = tpu.memref_slice %arg4[%mul3A_1309, %dma_start3A_1310] : memref<512x128xf32, #tpu.memory_space<hbm>> -> memref<16x128xf32, #tpu.memory_space<hbm>>
      %dma_start3A_1312 = arith.constant 0 : i32
      %dma_start3A_1313 = tpu.memref_slice %arg4[%mul3A_1309, %dma_start3A_1312] : memref<512x128xf32, #tpu.memory_space<hbm>> -> memref<16x128xf32, #tpu.memory_space<hbm>>
      tpu.enqueue_dma source(%arg7 : memref<16x128xf32, #tpu.memory_space<vmem>>) target(%dma_start3A_1313 : memref<16x128xf32, #tpu.memory_space<hbm>>) target_semaphore(%run_scoped3A : memref<!tpu.dma_semaphore, #tpu.memory_space<semaphore_mem>>)
      %dma_wait3A_1314 = arith.constant 0 : i32
      %dma_wait3A_1315 = tpu.memref_slice %arg4[%mul3A_1309, %dma_wait3A_1314] : memref<512x128xf32, #tpu.memory_space<hbm>> -> memref<16x128xf32, #tpu.memory_space<hbm>>
      %dma_wait3A_1316 = arith.constant 0 : i32
      %dma_wait3A_1317 = tpu.memref_slice %arg4[%mul3A_1309, %dma_wait3A_1316] : memref<512x128xf32, #tpu.memory_space<hbm>> -> memref<16x128xf32, #tpu.memory_space<hbm>>
      tpu.wait_dma2 semaphore(%run_scoped3A : memref<!tpu.dma_semaphore, #tpu.memory_space<semaphore_mem>>) src(%arg7 : memref<16x128xf32, #tpu.memory_space<vmem>>) dst(%dma_wait3A_1317 : memref<16x128xf32, #tpu.memory_space<hbm>>)
      tpu.yield
    }) : () -> ()
    return
  }
}

module attributes {stable_mosaic.version = 14 : i64} {
  func.func @_matmul_block(%arg0: i32, %arg1: memref<64x2048xf32, #tpu.memory_space<vmem>>, %arg2: memref<1024x64xf32, #tpu.memory_space<vmem>>, %arg3: memref<2048x1024xf32, #tpu.memory_space<vmem>>) attributes {dimension_semantics = [#tpu.dimension_semantics<arbitrary>], iteration_bounds = array<i64: 49>, scalar_prefetch = 0 : i64, scratch_operands = 0 : i64, tpu.core_type = #tpu.core_type<tc>, window_params = [{transform_indices = @transform_0, window_bounds = array<i64: 64, 2048>}, {pipeline_mode = #tpu.pipeline_mode<synchronous>, transform_indices = @transform_1, window_bounds = array<i64: 1024, 64>}, {transform_indices = @transform_2, window_bounds = array<i64: 2048, 1024>}]} {
    %get3A = arith.constant 0 : index
    %get3A_0 = arith.constant 0 : index
    %get3A_1 = vector.load %arg1[%get3A, %get3A_0] : memref<64x2048xf32, #tpu.memory_space<vmem>>, vector<64x2048xf32>
    %convert_element_type3A = arith.truncf %get3A_1 : vector<64x2048xf32> to vector<64x2048xbf16>
    %get3A_2 = arith.constant 0 : index
    %get3A_3 = arith.constant 0 : index
    %get3A_4 = vector.load %arg2[%get3A_2, %get3A_3] : memref<1024x64xf32, #tpu.memory_space<vmem>>, vector<1024x64xf32>
    %convert_element_type3A_5 = arith.truncf %get3A_4 : vector<1024x64xf32> to vector<1024x64xbf16>
    %dot_general3A = arith.constant dense<0.000000e+00> : vector<2048x1024xf32>
    %dot_general3A_6 = tpu.matmul %convert_element_type3A, %convert_element_type3A_5, %dot_general3A {dimension_numbers = #tpu.dot_dimension_numbers<[0], [1], [1], [0], [0, 1, 1, 0], [], []>, transpose_lhs_hint = false} : vector<64x2048xbf16>, vector<1024x64xbf16>, vector<2048x1024xf32> -> vector<2048x1024xf32>
    %swap3A = arith.constant 0 : index
    %swap3A_7 = arith.constant 0 : index
    %swap3A_8 = vector.load %arg3[%swap3A, %swap3A_7] : memref<2048x1024xf32, #tpu.memory_space<vmem>>, vector<2048x1024xf32>
    tpu.vector_store %arg3[%swap3A, %swap3A_7], %dot_general3A_6 {strides = array<i32>} : memref<2048x1024xf32, #tpu.memory_space<vmem>>, vector<2048x1024xf32>,
    return
  }
  func.func @transform_0(%arg0: i32) -> (i32, i32) {
    %c0_i32 = arith.constant 0 : i32
    %c0_i32_0 = arith.constant 0 : i32
    return %c0_i32, %arg0 : i32, i32
  }
  func.func @transform_1(%arg0: i32) -> (i32, i32) {
    %c0_i32 = arith.constant 0 : i32
    %c0_i32_0 = arith.constant 0 : i32
    %c0_i32_1 = arith.constant 0 : i32
    return %c0_i32, %c0_i32_0 : i32, i32
  }
  func.func @transform_2(%arg0: i32) -> (i32, i32) {
    %c0_i32 = arith.constant 0 : i32
    %c0_i32_0 = arith.constant 0 : i32
    return %arg0, %c0_i32 : i32, i32
  }
}

</mosaic_0001>

<sc_bundles>
// kernel: kernel.4.cloned.1.call-start
scs
__scs_entry_jumppad:
0x0: {  	(pc) =	sbr.rel $0x88, $3  }
0x1: {  	(tag) =	ssettag $0x0;
	lr =	simm.s32 $0x1  }
0x2: {  	[smem:$0x3F9E] =	sst lr;
	_ =	strace $0xD0000000  }
0x3: {  	_ = 	snop  }
0x4: {  	_ = 	snop  }
0x5: {  	_ = 	snop  }
0x6: {  	_ = 	snop  }
0x7: {  	_ = 	snop  }
__scs_overlays_trampoline_lowered:
0x8: {  	[smem:$0x3FAD] =	sst s0  }
0x9: {  	[smem:$0x3FAE] =	sst s1  }
0xa: {  	[smem:$0x3FAF] =	sst s2  }
0xb: {  	[smem:$0x3FB0] =	sst s3  }
0xc: {  	[smem:$0x3FB1] =	sst s4  }
0xd: {  	[smem:$0x3FB2] =	sst s5  }
0xe: {  	[smem:$0x3FB3] =	sst s6  }
0xf: {  	[smem:$0x3FB4] =	sst s7  }
0x10: {  	[smem:$0x3FB5] =	sst s8  }
0x11: {  	[smem:$0x3FB6] =	sst s9;
	s0 =	simm.s32 @!p0 $0x0  }
0x12: {  	s1 =	sld [smem:$0x3F9C];
	s0 =	simm.s32 @p0 $0x1  }
0x13: {  	[smem:$0x3FB7] =	sst s0;
	s0 =	simm.s32 @!p1 $0x0  }
0x14: {  	s2 =	sld [smem:$0x3F9B];
	s0 =	simm.s32 @p1 $0x1  }
0x15: {  	[smem:$0x3FB8] =	sst s0;
	s0 =	simm.s32 @!p2 $0x0  }
0x16: {  	s3 =	sld [smem:$0x3FDB];
	s0 =	simm.s32 @p2 $0x1  }
0x17: {  	s4 =	simm.s32 $0x1BF5;
	[smem:$0x3FBA] =	sst s0  }
0x18: {  	s0 =	sld [smem:$0x3F9D];
	_ =	swait.ge [sflag:s4], $0x0  }
0x19: {  	s7 =	sld [smem:$0x3F9E]  }
0x1a: {  	s8 =	sadd.s32 $0xFFFFE003, lr  }
0x1b: {  	s9 =	sadd.s32 $0xFFFFFEF7, lr;
	s5 =	simm.s32 $0xFFFFFFFF;
	p2 =	slt.u32 s8, $0xFFFFF086  }
0x1c: {  	p1 =	slt.u32 s9, $0xF7A;
	s5 =	simm.s32 @!p2 $0x0  }
0x1d: {  	s5 =	simm.s32 @p1 $0x1;
	p0 =	seq.s32 s7, s2  }
0x1e: {  	s7 =	smul.u32 @!p0 $0xF7A, s2;
	p2 =	seq.s32 @!p0 s5, $0x0  }
0x1f: {  	s9 =	smul.u32 $0xF7A, s1;
	s8 =	simm.s32 @!p0 $0x1BF5;
	p2 =	por !p2, p0  }
0x20: {  	[sflag:s8] =	ssyncset.s32 @!p0 $0xFFFFF086;
	s6 =	sadd.s32 @!p0 s3, s7;
	s7 =	simm.s32 @!p0 $0x108  }
0x21: {  	s3 =	sadd.s32 s3, s9;
	s6 =	sadd.s32 @!p0 $0x88, s6;
	s7 =	simm.s32 @p2 $0x1082  }
0x22: {  	[simem:s7], [sflag:s8] =	dma.local @!p0 [hbm:s6], $0xF7A  }
0x23: {  	s9 =	sor.u32 $0xD0000000, s2;
	s6 =	simm.s32 $0x108;
	_ =	swait.ge @!p0 [sflag:s8], $0x0  }
0x24: {  	s3 =	sadd.s32 $0x88, s3;
	s6 =	simm.s32 @!p1 $0x1082;
	[sflag:s4] =	ssyncset.s32 $0xFFFFF086  }
0x25: {  	[simem:s6], [sflag:s4] =	dma.local [hbm:s3], $0xF7A  }
0x26: {  	[smem:$0x3F9E] =	sst s1;
	(tag) =	ssettag s2;
	_ =	strace s9  }
0x27: {  	s1 =	sld [smem:$0x3FAE]  }
0x28: {  	s2 =	sld [smem:$0x3FAF]  }
0x29: {  	s4 =	sld [smem:$0x3FB1]  }
0x2a: {  	p0 =	seq.s32 s5, $0x0;
	s5 =	sld [smem:$0x3FB2]  }
0x2b: {  	s6 =	sld [smem:$0x3FB3]  }
0x2c: {  	s7 =	sld [smem:$0x3FB4]  }
0x2d: {  	s3 =	simm.s32 $0x108;
	s8 =	sld [smem:$0x3FB5]  }
0x2e: {  	s3 =	simm.s32 @!p0 $0x1082;
	s9 =	sld [smem:$0x3FB6]  }
0x2f: {  	lr =	sadd.s32 s0, s3;
	s0 =	sld [smem:$0x3FAD]  }
0x30: {  	s3 =	sld [smem:$0x3FB0]  }
0x31: {  	[smem:$0x3FB9] =	sst s10  }
0x32: {  	s10 =	sld [smem:$0x3FB7];
	_ =	sdelay $0x3  }
0x33: {  	p0 =	seq.s32 s10, $0x1;
	s10 =	sld [smem:$0x3FB9];
	_ =	sdelay $0x3  }
0x34: {  	[smem:$0x3FB9] =	sst s10  }
0x35: {  	s10 =	sld [smem:$0x3FB8];
	_ =	sdelay $0x3  }
0x36: {  	p1 =	seq.s32 s10, $0x1;
	s10 =	sld [smem:$0x3FB9];
	_ =	sdelay $0x3  }
0x37: {  	[smem:$0x3FB9] =	sst s10  }
0x38: {  	s10 =	sld [smem:$0x3FBA]  }
0x39: {  	_ = 	snop;
	(pc) =	sbr.ind lr, $3  }
0x3a: {  	_ = 	snop  }
0x3b: {  	_ = 	snop  }
0x3c: {  	p2 =	seq.s32 s10, $0x1;
	s10 =	sld [smem:$0x3FB9]  }
0x3d: {  	_ =	shalt  }
0x3e: {  	_ =	shalt  }
0x3f: {  	_ =	shalt  }
0x40: {  	_ =	shalt  }
0x41: {  	_ =	shalt  }
0x42: {  	_ =	shalt  }
0x43: {  	_ =	shalt  }
0x44: {  	_ =	shalt  }
0x45: {  	_ =	shalt  }
0x46: {  	_ =	shalt  }
0x47: {  	_ =	shalt  }
0x48: {  	_ =	shalt  }
0x49: {  	_ =	shalt  }
0x4a: {  	_ =	shalt  }
0x4b: {  	_ =	shalt  }
0x4c: {  	_ =	shalt  }
0x4d: {  	_ =	shalt  }
0x4e: {  	_ =	shalt  }
0x4f: {  	_ =	shalt  }
0x50: {  	_ =	shalt  }
0x51: {  	_ =	shalt  }
0x52: {  	_ =	shalt  }
0x53: {  	_ =	shalt  }
0x54: {  	_ =	shalt  }
0x55: {  	_ =	shalt  }
0x56: {  	_ =	shalt  }
0x57: {  	_ =	shalt  }
0x58: {  	_ =	shalt  }
0x59: {  	_ =	shalt  }
0x5a: {  	_ =	shalt  }
0x5b: {  	_ =	shalt  }
0x5c: {  	_ =	shalt  }
0x5d: {  	_ =	shalt  }
0x5e: {  	_ =	shalt  }
0x5f: {  	_ =	shalt  }
0x60: {  	_ =	shalt  }
0x61: {  	_ =	shalt  }
0x62: {  	_ =	shalt  }
0x63: {  	_ =	shalt  }
0x64: {  	_ =	shalt  }
0x65: {  	_ =	shalt  }
0x66: {  	_ =	shalt  }
0x67: {  	_ =	shalt  }
0x68: {  	_ =	shalt  }
0x69: {  	_ =	shalt  }
0x6a: {  	_ =	shalt  }
0x6b: {  	_ =	shalt  }
0x6c: {  	_ =	shalt  }
0x6d: {  	_ =	shalt  }
0x6e: {  	_ =	shalt  }
0x6f: {  	_ =	shalt  }
0x70: {  	_ =	shalt  }
0x71: {  	_ =	shalt  }
0x72: {  	_ =	shalt  }
0x73: {  	_ =	shalt  }
0x74: {  	_ =	shalt  }
0x75: {  	_ =	shalt  }
0x76: {  	_ =	shalt  }
0x77: {  	_ =	shalt  }
0x78: {  	_ =	shalt  }
0x79: {  	_ =	shalt  }
0x7a: {  	_ =	shalt  }
0x7b: {  	_ =	shalt  }
0x7c: {  	_ =	shalt  }
0x7d: {  	_ =	shalt  }
0x7e: {  	_ =	shalt  }
0x7f: {  	_ =	shalt  }
0x80: {  	_ =	shalt  }
0x81: {  	_ =	shalt  }
0x82: {  	_ =	shalt  }
0x83: {  	_ =	shalt  }
0x84: {  	_ =	shalt  }
0x85: {  	_ =	shalt  }
0x86: {  	_ =	shalt  }
0x87: {  	_ =	shalt  }
.Lfunc_end0:
.L_simem_size_0:
called_computation_lowered:
.L_overlay_start_0:
0x88: {  	s2 =	sld [smem:$0x3FD9]  }
0x89: {  	s3 =	sld [smem:$0x3FFE];
	_ =	sdelay $0x1  }
0x8a: {  	s1 =	srdreg.scid  }
0x8b: {  	s0 =	sand.u32 $0x1, s1  }
0x8c: {  	s17 =	sshll.u32 s0, $0xA;
	s2 =	sadd.s32 s3, s2  }
0x8d: {  	s2 =	sadd.s32 s2, s17  }
0x8e: {  	[smem:$0x3FC5] =	sst s2  }
0x8f: {  	_ = 	snop  }
0x90: {  	s2 =	sld [smem:$0x3FC9]  }
0x91: {  	s18 =	sld [smem:$0x3FD0];
	(tm) =	ssettm $0x1  }
0x92: {  	s4 =	sld [smem:$0x3FFB];
	_ =	sdelay $0x3  }
0x93: {  	_ =	strace s4  }
0x94: {  	s4 =	sld [smem:$0x3FFC];
	_ =	sdelay $0x3  }
0x95: {  	_ =	strace s4  }
0x96: {  	s4 =	sld [smem:$0x3FFD];
	_ =	sdelay $0x3  }
0x97: {  	_ =	strace s4  }
0x98: {  	_ =	strace $0x8FFFFFFF  }
0x99: {  	s19 =	sld [smem:$0x3FDB];
	_ =	sdelay $0x1  }
0x9a: {  	s5 =	simm.s32 $_scs_section_size  }
0x9b: {  	s6 =	simm.s32 $_size__tile_overlayer_lowered;
	s7 =	simm.s32 $_tile_overlayer_lowered  }
0x9c: {  	s22 =	simm.s32 $0x1BFF;
	s21 =	sshll.u32 s7, $0x1;
	s4 =	sadd.s32 s5, s19  }
0x9d: {  	s8 =	simm.s32 $0x0;
	s20 =	sshll.u32 s6, $0x1;
	s6 =	sadd.s32 s21, s4  }
0x9e: {  	[timem:s8], [sflag:s22] =	dma.local [hbm:s6], s20  }
0x9f: {  	_ =	swait.ge [sflag:s22], s20  }
0xa0: {  	s5 =	ssub.s32 $0x0, s20;
	[sflag:s22] =	ssyncset.done $0x0  }
0xa1: {  	[sflag:s22] =	ssyncadd.s32 s5;
	_ =	sdelay $0x1  }
0xa2: {  	s23 =	simm.s32 $0x1B8B  }
0xa3: {  	_ =	swait.ge [sflag:s23], $0x1  }
0xa4: {  	[sflag:s23] =	ssyncset.done $0x0  }
0xa5: {  	s25 =	simm.s32 $0x1B8E;
	s24 =	sld [smem:$0x3FFE];
	[sflag:s23] =	ssyncadd.s32 $0xFFFFFFFF  }
0xa6: {  	s26 =	simm.s32 $execute0_lowered;
	[smem:$0x3FD2] =	sst s25  }
0xa7: {  	s6 =	sshll.u32 s26, $0x1;
	_ =	strace $0x80000046;
	[dreg:$0x1] =	wrdreg $0xFFFFFFFF  }
0xa8: {  	s28 =	simm.s32 $_size_execute0_lowered;
	s4 =	sadd.s32 s4, s6;
	[dreg:$0x0] =	wrdreg $0x0  }
0xa9: {  	s6 =	sshll.u32 s28, $0x1;
	[dreg:$0x2] =	wrdreg s4  }
0xaa: {  	[dreg:$0x3] =	wrdreg s6  }
0xab: {  	[dreg:$0x4] =	wrdreg $0xC0  }
0xac: {  	_ =	task [dreg:s8], $0x5FFFF  }
0xad: {  	[dreg:$0x1] =	wrdreg $0xFFFFFFFF  }
0xae: {  	[dreg:$0x0] =	wrdreg $0x60  }
0xaf: {  	[dreg:$0x2] =	wrdreg s24  }
0xb0: {  	[dreg:$0x3] =	wrdreg s2  }
0xb1: {  	[dreg:$0x4] =	wrdreg s18  }
0xb2: {  	[dreg:$0x5] =	wrdreg $0x9  }
0xb3: {  	_ =	task.clear_ibuf [dreg:s8], $0x6FFFF;
	_ =	strace $0x90000046  }
0xb4: {  	s29 =	simm.s32 $0x9;
	_ =	strace $0x80000048  }
0xb5: {  	_ =	swait.ge [sflag:s29], $0x1  }
0xb6: {  	[sflag:s29] =	ssyncadd.s32 $0xFFFFFFFF  }
0xb7: {  	_ =	strace $0x90000048  }
0xb8: {  	_ =	sfence  }
0xb9: {  	s30 =	sld [smem:$0x0];
	_ =	sdelay $0x2  }
0xba: {  	s31 =	sshll.u32 s1, $0xD;
	s1 =	sshrl.u32 s1, $0x2  }
0xbb: {  	s3 =	sand.u32 $0x4000, s31;
	s1 =	sadd.s32 s1, s30  }
0xbc: {  	s0 =	sor.u32 s3, s0;
	s1 =	sshll.u32 s1, $0x11  }
0xbd: {  	s0 =	sor.u32 s1, s0  }
0xbe: {  	s0 =	sadd.s32 $0x8F2B, s0  }
0xbf: {  	[sflag:s0] =	ssyncadd.remote.s32 $0x1  }
0xc0: {  	_ =	sfence.sel $0xFFFF  }
0xc1: {  	[dreg:$0x0] =	wrdreg $0xFFFFFFFF;
	(pc) =	sbr.abs _section_cstart, $3  }
0xc2: {  	[dreg:$0x1] =	wrdreg $0xFFFFFFFF  }
0xc3: {  	_ =	task.clear_ibuf [dreg:s8], $0x2FFFF;
	_ =	strace $0x9FFFFFFF  }
0xc4: {  	(tm) =	ssettm $0x7FFFFFFF  }
0xc5: {  	_ =	shalt  }
tec
execute0_lowered:
.L_overlay_start_1:
0x0: {  	(tag) =	ssettag $0x1  }
0x1: {  	v1 =	vlaneseq.u32  }
0x2: {  	v0 =	vmul.u32 $0x80, v1  }
0x3: {  	v1 =	vmul.u32 $0x40, v1  }
0x4: {  	v2 =	vor.u32 $0x1, v0  }
0x5: {  	v4 =	vor.u32 $0x2, v0;
	v5 =	vor.u32 $0x2, v1;
	v6 =	vor.u32 $0x3, v0  }
0x6: {  	v7 =	vor.u32 $0x3, v1;
	v8 =	vor.u32 $0x4, v0;
	v9 =	vor.u32 $0x4, v1  }
0x7: {  	v10 =	vor.u32 $0x5, v0;
	v11 =	vor.u32 $0x5, v1;
	v12 =	vor.u32 $0x6, v0  }
0x8: {  	v13 =	vor.u32 $0x6, v1;
	v14 =	vor.u32 $0x7, v0;
	v15 =	vor.u32 $0x7, v1  }
0x9: {  	v16 =	vor.u32 $0x8, v0;
	v17 =	vor.u32 $0x8, v1;
	v18 =	vor.u32 $0x9, v0  }
0xa: {  	v19 =	vor.u32 $0x9, v1;
	v20 =	vor.u32 $0xA, v0;
	v21 =	vor.u32 $0xA, v1  }
0xb: {  	v22 =	vor.u32 $0xB, v0;
	v23 =	vor.u32 $0xB, v1;
	v24 =	vor.u32 $0xC, v0  }
0xc: {  	v25 =	vor.u32 $0xC, v1;
	v26 =	vor.u32 $0xD, v0;
	v27 =	vor.u32 $0xD, v1  }
0xd: {  	v28 =	vor.u32 $0xE, v0;
	v29 =	vor.u32 $0xE, v1;
	v30 =	vor.u32 $0xF, v0  }
0xe: {  	s3 =	rddreg [dreg:$0x0];
	v31 =	vor.u32 $0xF, v1;
	v32 =	vor.u32 $0x10, v0;
	v33 =	vor.u32 $0x10, v1  }
0xf: {  	s4 =	rddreg [dreg:$0x1];
	v34 =	vor.u32 $0x11, v0;
	v35 =	vor.u32 $0x11, v1;
	v36 =	vor.u32 $0x12, v0  }
0x10: {  	s5 =	rddreg [dreg:$0x2];
	v37 =	vor.u32 $0x12, v1;
	v38 =	vor.u32 $0x13, v0;
	v39 =	vor.u32 $0x13, v1  }
0x11: {  	s0 =	rddreg [dreg:$0x3];
	s1 =	simm.s32 $0x0;
	v40 =	vor.u32 $0x14, v0;
	v41 =	vor.u32 $0x14, v1;
	v42 =	vor.u32 $0x15, v0  }
0x12: {  	s6 =	srdreg.scid;
	s2 =	stileid.u32;
	s10 =	simm.s32 $0x1;
	v43 =	vor.u32 $0x15, v1;
	v44 =	vor.u32 $0x16, v0;
	v45 =	vor.u32 $0x16, v1  }
0x13: {  	s11 =	simm.s32 $0x1080;
	s6 =	sand.u32 $0x1, s6;
	s7 =	sshll.u32 s2, $0x1;
	v46 =	vor.u32 $0x17, v0;
	v47 =	vor.u32 $0x17, v1;
	v48 =	vor.u32 $0x18, v0  }
0x14: {  	[smem:$0x7FF] =	sst s1;
	s8 =	ssub.s32 $0x2, s6;
	s6 =	sor.u32 s6, s7;
	v49 =	vor.u32 $0x18, v1;
	v50 =	vor.u32 $0x19, v0;
	v51 =	vor.u32 $0x19, v1  }
0x15: {  	s3 =	sadd.s32 $0x400, s3;
	s31 =	sshrl.u32 s8, $0x1;
	s9 =	sshll.u32 s6, $0x2;
	v52 =	vor.u32 $0x1A, v0;
	v53 =	vor.u32 $0x1A, v1;
	v54 =	vor.u32 $0x1B, v0  }
0x16: {  	s6 =	sshll.u32 s6, $0x8;
	v55 =	vor.u32 $0x1B, v1;
	v56 =	vor.u32 $0x1C, v0;
	[tilespmem:$0x1FFE0] =	vst v2;
	v2 =	vor.u32 $0x1, v1;
	s7 =	ssub.s32 s8, s31;
	s4 =	sadd.s32 s4, s9  }
0x17: {  	v57 =	vor.u32 $0x1C, v1;
	v58 =	vor.u32 $0x1D, v0;
	v59 =	vor.u32 $0x1D, v1;
	s5 =	sadd.s32 s5, s6;
	s8 =	simm.s32 $0x20;
	s9 =	simm.s32 $0x80;
	[tilespmem:$0x1FFF0] =	vst v2  }
0x18: {  	v60 =	vor.u32 $0x1E, v0;
	v61 =	vor.u32 $0x1E, v1;
	v62 =	vor.u32 $0x1F, v0;
	s6 =	smax.u32 s7, $0x1;
	s7 =	simm.s32 $0x2;
	_ =	strace $0x80000047  }
.LBB2_1:
0x19: {  	[tilespmem:s1], [sflag:$0x2] =	stream.linear.gather [hbm4b:s4+s1], $0x20, $0x38;
	[tilespmem:$0x1880] =	vst v63  }
0x1a: {  	_ =	swait.ge [sflag:s7], $0x20  }
0x1b: {  	[sflag:s7] =	ssyncset.done $0x0  }
0x1c: {  	[sflag:s7] =	ssyncadd.s32 $0xFFFFFFE0  }
0x1d: {  	[tilespmem:s9], [sflag:$0x1] =	stream.indirect.gather [hbm4b:s3+s8], $0x80, s1, s8, $0xb8;
	[tilespmem:$0x1880] =	vst v63  }
0x1e: {  	_ =	swait.ge [sflag:s10], $0x1000  }
0x1f: {  	[sflag:s10] =	ssyncset.done $0x0;
	v2 =	vld [tilespmem:$0x1FFE0]  }
0x20: {  	[sflag:s10] =	ssyncadd.s32 $0xFFFFF000  }
0x21: {  	v63 =	vld.idx.msk [tilespmem:v0+s9+$0x0], $0xffff;
	_ =	sdelay $0x4  }
0x22: {  	[tilespmem:v1+s11+$0x0] =	vst.idx.msk $0xffff, v63  }
0x23: {  	v63 =	vld.idx.msk [tilespmem:v2+s9+$0x0], $0xffff  }
0x24: {  	v2 =	vld [tilespmem:$0x1FFF0];
	_ =	sdelay $0x7  }
0x25: {  	[tilespmem:v2+s11+$0x0] =	vst.idx.msk $0xffff, v63  }
0x26: {  	v63 =	vld.idx.msk [tilespmem:v4+s9+$0x0], $0xffff;
	_ =	sdelay $0x4  }
0x27: {  	[tilespmem:v5+s11+$0x0] =	vst.idx.msk $0xffff, v63  }
0x28: {  	v63 =	vld.idx.msk [tilespmem:v6+s9+$0x0], $0xffff;
	_ =	sdelay $0x4  }
0x29: {  	[tilespmem:v7+s11+$0x0] =	vst.idx.msk $0xffff, v63  }
0x2a: {  	v63 =	vld.idx.msk [tilespmem:v8+s9+$0x0], $0xffff;
	_ =	sdelay $0x4  }
0x2b: {  	[tilespmem:v9+s11+$0x0] =	vst.idx.msk $0xffff, v63  }
0x2c: {  	v63 =	vld.idx.msk [tilespmem:v10+s9+$0x0], $0xffff;
	_ =	sdelay $0x4  }
0x2d: {  	[tilespmem:v11+s11+$0x0] =	vst.idx.msk $0xffff, v63  }
0x2e: {  	v63 =	vld.idx.msk [tilespmem:v12+s9+$0x0], $0xffff;
	_ =	sdelay $0x4  }
0x2f: {  	[tilespmem:v13+s11+$0x0] =	vst.idx.msk $0xffff, v63  }
0x30: {  	v63 =	vld.idx.msk [tilespmem:v14+s9+$0x0], $0xffff;
	_ =	sdelay $0x4  }
0x31: {  	[tilespmem:v15+s11+$0x0] =	vst.idx.msk $0xffff, v63  }
0x32: {  	v63 =	vld.idx.msk [tilespmem:v16+s9+$0x0], $0xffff;
	_ =	sdelay $0x4  }
0x33: {  	[tilespmem:v17+s11+$0x0] =	vst.idx.msk $0xffff, v63  }
0x34: {  	v63 =	vld.idx.msk [tilespmem:v18+s9+$0x0], $0xffff;
	_ =	sdelay $0x4  }
0x35: {  	[tilespmem:v19+s11+$0x0] =	vst.idx.msk $0xffff, v63  }
0x36: {  	v63 =	vld.idx.msk [tilespmem:v20+s9+$0x0], $0xffff;
	_ =	sdelay $0x4  }
0x37: {  	[tilespmem:v21+s11+$0x0] =	vst.idx.msk $0xffff, v63  }
0x38: {  	v63 =	vld.idx.msk [tilespmem:v22+s9+$0x0], $0xffff;
	_ =	sdelay $0x4  }
0x39: {  	[tilespmem:v23+s11+$0x0] =	vst.idx.msk $0xffff, v63  }
0x3a: {  	v63 =	vld.idx.msk [tilespmem:v24+s9+$0x0], $0xffff;
	_ =	sdelay $0x4  }
0x3b: {  	[tilespmem:v25+s11+$0x0] =	vst.idx.msk $0xffff, v63  }
0x3c: {  	v63 =	vld.idx.msk [tilespmem:v26+s9+$0x0], $0xffff;
	_ =	sdelay $0x4  }
0x3d: {  	[tilespmem:v27+s11+$0x0] =	vst.idx.msk $0xffff, v63  }
0x3e: {  	v63 =	vld.idx.msk [tilespmem:v28+s9+$0x0], $0xffff;
	_ =	sdelay $0x4  }
0x3f: {  	[tilespmem:v29+s11+$0x0] =	vst.idx.msk $0xffff, v63  }
0x40: {  	v63 =	vld.idx.msk [tilespmem:v30+s9+$0x0], $0xffff;
	_ =	sdelay $0x4  }
0x41: {  	[tilespmem:v31+s11+$0x0] =	vst.idx.msk $0xffff, v63  }
0x42: {  	v63 =	vld.idx.msk [tilespmem:v32+s9+$0x0], $0xffff;
	_ =	sdelay $0x4  }
0x43: {  	[tilespmem:v33+s11+$0x0] =	vst.idx.msk $0xffff, v63  }
0x44: {  	v63 =	vld.idx.msk [tilespmem:v34+s9+$0x0], $0xffff;
	_ =	sdelay $0x4  }
0x45: {  	[tilespmem:v35+s11+$0x0] =	vst.idx.msk $0xffff, v63  }
0x46: {  	v63 =	vld.idx.msk [tilespmem:v36+s9+$0x0], $0xffff;
	_ =	sdelay $0x4  }
0x47: {  	[tilespmem:v37+s11+$0x0] =	vst.idx.msk $0xffff, v63  }
0x48: {  	v63 =	vld.idx.msk [tilespmem:v38+s9+$0x0], $0xffff;
	_ =	sdelay $0x4  }
0x49: {  	[tilespmem:v39+s11+$0x0] =	vst.idx.msk $0xffff, v63  }
0x4a: {  	v63 =	vld.idx.msk [tilespmem:v40+s9+$0x0], $0xffff;
	_ =	sdelay $0x4  }
0x4b: {  	[tilespmem:v41+s11+$0x0] =	vst.idx.msk $0xffff, v63  }
0x4c: {  	v63 =	vld.idx.msk [tilespmem:v42+s9+$0x0], $0xffff;
	_ =	sdelay $0x4  }
0x4d: {  	[tilespmem:v43+s11+$0x0] =	vst.idx.msk $0xffff, v63  }
0x4e: {  	v63 =	vld.idx.msk [tilespmem:v44+s9+$0x0], $0xffff;
	_ =	sdelay $0x4  }
0x4f: {  	[tilespmem:v45+s11+$0x0] =	vst.idx.msk $0xffff, v63  }
0x50: {  	v63 =	vld.idx.msk [tilespmem:v46+s9+$0x0], $0xffff;
	_ =	sdelay $0x4  }
0x51: {  	[tilespmem:v47+s11+$0x0] =	vst.idx.msk $0xffff, v63  }
0x52: {  	v63 =	vld.idx.msk [tilespmem:v48+s9+$0x0], $0xffff;
	_ =	sdelay $0x4  }
0x53: {  	[tilespmem:v49+s11+$0x0] =	vst.idx.msk $0xffff, v63  }
0x54: {  	v63 =	vld.idx.msk [tilespmem:v50+s9+$0x0], $0xffff;
	_ =	sdelay $0x4  }
0x55: {  	[tilespmem:v51+s11+$0x0] =	vst.idx.msk $0xffff, v63  }
0x56: {  	v63 =	vld.idx.msk [tilespmem:v52+s9+$0x0], $0xffff;
	_ =	sdelay $0x4  }
0x57: {  	[tilespmem:v53+s11+$0x0] =	vst.idx.msk $0xffff, v63  }
0x58: {  	v63 =	vld.idx.msk [tilespmem:v54+s9+$0x0], $0xffff;
	_ =	sdelay $0x4  }
0x59: {  	[tilespmem:v55+s11+$0x0] =	vst.idx.msk $0xffff, v63  }
0x5a: {  	v63 =	vld.idx.msk [tilespmem:v56+s9+$0x0], $0xffff;
	_ =	sdelay $0x4  }
0x5b: {  	[tilespmem:v57+s11+$0x0] =	vst.idx.msk $0xffff, v63  }
0x5c: {  	v63 =	vld.idx.msk [tilespmem:v58+s9+$0x0], $0xffff;
	_ =	sdelay $0x4  }
0x5d: {  	[tilespmem:v59+s11+$0x0] =	vst.idx.msk $0xffff, v63  }
0x5e: {  	v63 =	vld.idx.msk [tilespmem:v60+s9+$0x0], $0xffff;
	_ =	sdelay $0x4  }
0x5f: {  	[tilespmem:v61+s11+$0x0] =	vst.idx.msk $0xffff, v63  }
0x60: {  	v2 =	vor.u32 $0x1F, v1;
	v63 =	vld.idx.msk [tilespmem:v62+s9+$0x0], $0xffff  }
0x61: {  	v3 =	vor.u32 $0x20, v0;
	_ =	sdelay $0x3  }
0x62: {  	[tilespmem:v2+s11+$0x0] =	vst.idx.msk $0xffff, v63  }
0x63: {  	v2 =	vld.idx.msk [tilespmem:v3+s9+$0x0], $0xffff;
	v3 =	vor.u32 $0x20, v1  }
0x64: {  	v63 =	vor.u32 $0x21, v0;
	_ =	sdelay $0x3  }
0x65: {  	[tilespmem:v3+s11+$0x0] =	vst.idx.msk $0xffff, v2  }
0x66: {  	v3 =	vor.u32 $0x21, v1;
	v2 =	vld.idx.msk [tilespmem:v63+s9+$0x0], $0xffff  }
0x67: {  	v63 =	vor.u32 $0x22, v0;
	_ =	sdelay $0x3  }
0x68: {  	[tilespmem:v3+s11+$0x0] =	vst.idx.msk $0xffff, v2  }
0x69: {  	v3 =	vor.u32 $0x22, v1;
	v2 =	vld.idx.msk [tilespmem:v63+s9+$0x0], $0xffff  }
0x6a: {  	v63 =	vor.u32 $0x23, v0;
	_ =	sdelay $0x3  }
0x6b: {  	[tilespmem:v3+s11+$0x0] =	vst.idx.msk $0xffff, v2  }
0x6c: {  	v3 =	vor.u32 $0x23, v1;
	v2 =	vld.idx.msk [tilespmem:v63+s9+$0x0], $0xffff  }
0x6d: {  	v63 =	vor.u32 $0x24, v0;
	_ =	sdelay $0x3  }
0x6e: {  	[tilespmem:v3+s11+$0x0] =	vst.idx.msk $0xffff, v2  }
0x6f: {  	v3 =	vor.u32 $0x24, v1;
	v2 =	vld.idx.msk [tilespmem:v63+s9+$0x0], $0xffff  }
0x70: {  	v63 =	vor.u32 $0x25, v0;
	_ =	sdelay $0x3  }
0x71: {  	[tilespmem:v3+s11+$0x0] =	vst.idx.msk $0xffff, v2  }
0x72: {  	v3 =	vor.u32 $0x25, v1;
	v2 =	vld.idx.msk [tilespmem:v63+s9+$0x0], $0xffff  }
0x73: {  	v63 =	vor.u32 $0x26, v0;
	_ =	sdelay $0x3  }
0x74: {  	[tilespmem:v3+s11+$0x0] =	vst.idx.msk $0xffff, v2  }
0x75: {  	v3 =	vor.u32 $0x26, v1;
	v2 =	vld.idx.msk [tilespmem:v63+s9+$0x0], $0xffff  }
0x76: {  	v63 =	vor.u32 $0x27, v0;
	_ =	sdelay $0x3  }
0x77: {  	[tilespmem:v3+s11+$0x0] =	vst.idx.msk $0xffff, v2  }
0x78: {  	v3 =	vor.u32 $0x27, v1;
	v2 =	vld.idx.msk [tilespmem:v63+s9+$0x0], $0xffff  }
0x79: {  	v63 =	vor.u32 $0x28, v0;
	_ =	sdelay $0x3  }
0x7a: {  	[tilespmem:v3+s11+$0x0] =	vst.idx.msk $0xffff, v2  }
0x7b: {  	v3 =	vor.u32 $0x28, v1;
	v2 =	vld.idx.msk [tilespmem:v63+s9+$0x0], $0xffff  }
0x7c: {  	v63 =	vor.u32 $0x29, v0;
	_ =	sdelay $0x3  }
0x7d: {  	[tilespmem:v3+s11+$0x0] =	vst.idx.msk $0xffff, v2  }
0x7e: {  	v3 =	vor.u32 $0x29, v1;
	v2 =	vld.idx.msk [tilespmem:v63+s9+$0x0], $0xffff  }
0x7f: {  	v63 =	vor.u32 $0x2A, v0;
	_ =	sdelay $0x3  }
0x80: {  	[tilespmem:v3+s11+$0x0] =	vst.idx.msk $0xffff, v2  }
0x81: {  	v3 =	vor.u32 $0x2A, v1;
	v2 =	vld.idx.msk [tilespmem:v63+s9+$0x0], $0xffff  }
0x82: {  	v63 =	vor.u32 $0x2B, v0;
	_ =	sdelay $0x3  }
0x83: {  	[tilespmem:v3+s11+$0x0] =	vst.idx.msk $0xffff, v2  }
0x84: {  	v3 =	vor.u32 $0x2B, v1;
	v2 =	vld.idx.msk [tilespmem:v63+s9+$0x0], $0xffff  }
0x85: {  	v63 =	vor.u32 $0x2C, v0;
	_ =	sdelay $0x3  }
0x86: {  	[tilespmem:v3+s11+$0x0] =	vst.idx.msk $0xffff, v2  }
0x87: {  	v3 =	vor.u32 $0x2C, v1;
	v2 =	vld.idx.msk [tilespmem:v63+s9+$0x0], $0xffff  }
0x88: {  	v63 =	vor.u32 $0x2D, v0;
	_ =	sdelay $0x3  }
0x89: {  	[tilespmem:v3+s11+$0x0] =	vst.idx.msk $0xffff, v2  }
0x8a: {  	v3 =	vor.u32 $0x2D, v1;
	v2 =	vld.idx.msk [tilespmem:v63+s9+$0x0], $0xffff  }
0x8b: {  	v63 =	vor.u32 $0x2E, v0;
	_ =	sdelay $0x3  }
0x8c: {  	[tilespmem:v3+s11+$0x0] =	vst.idx.msk $0xffff, v2  }
0x8d: {  	v3 =	vor.u32 $0x2E, v1;
	v2 =	vld.idx.msk [tilespmem:v63+s9+$0x0], $0xffff  }
0x8e: {  	v63 =	vor.u32 $0x2F, v0;
	_ =	sdelay $0x3  }
0x8f: {  	[tilespmem:v3+s11+$0x0] =	vst.idx.msk $0xffff, v2  }
0x90: {  	v3 =	vor.u32 $0x2F, v1;
	v2 =	vld.idx.msk [tilespmem:v63+s9+$0x0], $0xffff  }
0x91: {  	v63 =	vor.u32 $0x30, v0;
	_ =	sdelay $0x3  }
0x92: {  	[tilespmem:v3+s11+$0x0] =	vst.idx.msk $0xffff, v2  }
0x93: {  	v3 =	vor.u32 $0x30, v1;
	v2 =	vld.idx.msk [tilespmem:v63+s9+$0x0], $0xffff  }
0x94: {  	v63 =	vor.u32 $0x31, v0;
	_ =	sdelay $0x3  }
0x95: {  	[tilespmem:v3+s11+$0x0] =	vst.idx.msk $0xffff, v2  }
0x96: {  	v3 =	vor.u32 $0x31, v1;
	v2 =	vld.idx.msk [tilespmem:v63+s9+$0x0], $0xffff  }
0x97: {  	v63 =	vor.u32 $0x32, v0;
	_ =	sdelay $0x3  }
0x98: {  	[tilespmem:v3+s11+$0x0] =	vst.idx.msk $0xffff, v2  }
0x99: {  	v3 =	vor.u32 $0x32, v1;
	v2 =	vld.idx.msk [tilespmem:v63+s9+$0x0], $0xffff  }
0x9a: {  	v63 =	vor.u32 $0x33, v0;
	_ =	sdelay $0x3  }
0x9b: {  	[tilespmem:v3+s11+$0x0] =	vst.idx.msk $0xffff, v2  }
0x9c: {  	v3 =	vor.u32 $0x33, v1;
	v2 =	vld.idx.msk [tilespmem:v63+s9+$0x0], $0xffff  }
0x9d: {  	v63 =	vor.u32 $0x34, v0;
	_ =	sdelay $0x3  }
0x9e: {  	[tilespmem:v3+s11+$0x0] =	vst.idx.msk $0xffff, v2  }
0x9f: {  	v3 =	vor.u32 $0x34, v1;
	v2 =	vld.idx.msk [tilespmem:v63+s9+$0x0], $0xffff  }
0xa0: {  	v63 =	vor.u32 $0x35, v0;
	_ =	sdelay $0x3  }
0xa1: {  	[tilespmem:v3+s11+$0x0] =	vst.idx.msk $0xffff, v2  }
0xa2: {  	v3 =	vor.u32 $0x35, v1;
	v2 =	vld.idx.msk [tilespmem:v63+s9+$0x0], $0xffff  }
0xa3: {  	v63 =	vor.u32 $0x36, v0;
	_ =	sdelay $0x3  }
0xa4: {  	[tilespmem:v3+s11+$0x0] =	vst.idx.msk $0xffff, v2  }
0xa5: {  	v3 =	vor.u32 $0x36, v1;
	v2 =	vld.idx.msk [tilespmem:v63+s9+$0x0], $0xffff  }
0xa6: {  	v63 =	vor.u32 $0x37, v0;
	_ =	sdelay $0x3  }
0xa7: {  	[tilespmem:v3+s11+$0x0] =	vst.idx.msk $0xffff, v2  }
0xa8: {  	v3 =	vor.u32 $0x37, v1;
	v2 =	vld.idx.msk [tilespmem:v63+s9+$0x0], $0xffff  }
0xa9: {  	v63 =	vor.u32 $0x38, v0;
	_ =	sdelay $0x3  }
0xaa: {  	[tilespmem:v3+s11+$0x0] =	vst.idx.msk $0xffff, v2  }
0xab: {  	v3 =	vor.u32 $0x38, v1;
	v2 =	vld.idx.msk [tilespmem:v63+s9+$0x0], $0xffff  }
0xac: {  	v63 =	vor.u32 $0x39, v0;
	_ =	sdelay $0x3  }
0xad: {  	[tilespmem:v3+s11+$0x0] =	vst.idx.msk $0xffff, v2  }
0xae: {  	v3 =	vor.u32 $0x39, v1;
	v2 =	vld.idx.msk [tilespmem:v63+s9+$0x0], $0xffff  }
0xaf: {  	v63 =	vor.u32 $0x3A, v0;
	_ =	sdelay $0x3  }
0xb0: {  	[tilespmem:v3+s11+$0x0] =	vst.idx.msk $0xffff, v2  }
0xb1: {  	v3 =	vor.u32 $0x3A, v1;
	v2 =	vld.idx.msk [tilespmem:v63+s9+$0x0], $0xffff  }
0xb2: {  	v63 =	vor.u32 $0x3B, v0;
	_ =	sdelay $0x3  }
0xb3: {  	[tilespmem:v3+s11+$0x0] =	vst.idx.msk $0xffff, v2  }
0xb4: {  	v3 =	vor.u32 $0x3B, v1;
	v2 =	vld.idx.msk [tilespmem:v63+s9+$0x0], $0xffff  }
0xb5: {  	v63 =	vor.u32 $0x3C, v0;
	_ =	sdelay $0x3  }
0xb6: {  	[tilespmem:v3+s11+$0x0] =	vst.idx.msk $0xffff, v2  }
0xb7: {  	v3 =	vor.u32 $0x3C, v1;
	v2 =	vld.idx.msk [tilespmem:v63+s9+$0x0], $0xffff  }
0xb8: {  	v63 =	vor.u32 $0x3D, v0;
	_ =	sdelay $0x3  }
0xb9: {  	[tilespmem:v3+s11+$0x0] =	vst.idx.msk $0xffff, v2  }
0xba: {  	v3 =	vor.u32 $0x3D, v1;
	v2 =	vld.idx.msk [tilespmem:v63+s9+$0x0], $0xffff  }
0xbb: {  	v63 =	vor.u32 $0x3E, v0;
	_ =	sdelay $0x3  }
0xbc: {  	[tilespmem:v3+s11+$0x0] =	vst.idx.msk $0xffff, v2  }
0xbd: {  	v3 =	vor.u32 $0x3E, v1;
	v2 =	vld.idx.msk [tilespmem:v63+s9+$0x0], $0xffff  }
0xbe: {  	v63 =	vor.u32 $0x3F, v0;
	_ =	sdelay $0x3  }
0xbf: {  	[tilespmem:v3+s11+$0x0] =	vst.idx.msk $0xffff, v2  }
0xc0: {  	v3 =	vor.u32 $0x3F, v1;
	v2 =	vld.idx.msk [tilespmem:v63+s9+$0x0], $0xffff  }
0xc1: {  	v63 =	vor.u32 $0x800, v0;
	_ =	sdelay $0x3  }
0xc2: {  	[tilespmem:v3+s11+$0x0] =	vst.idx.msk $0xffff, v2  }
0xc3: {  	v3 =	vor.u32 $0x400, v1;
	v2 =	vld.idx.msk [tilespmem:v63+s9+$0x0], $0xffff  }
0xc4: {  	v63 =	vor.u32 $0x801, v0;
	_ =	sdelay $0x3  }
0xc5: {  	[tilespmem:v3+s11+$0x0] =	vst.idx.msk $0xffff, v2  }
0xc6: {  	v3 =	vor.u32 $0x401, v1;
	v2 =	vld.idx.msk [tilespmem:v63+s9+$0x0], $0xffff  }
0xc7: {  	v63 =	vor.u32 $0x802, v0;
	_ =	sdelay $0x3  }
0xc8: {  	[tilespmem:v3+s11+$0x0] =	vst.idx.msk $0xffff, v2  }
0xc9: {  	v3 =	vor.u32 $0x402, v1;
	v2 =	vld.idx.msk [tilespmem:v63+s9+$0x0], $0xffff  }
0xca: {  	v63 =	vor.u32 $0x803, v0;
	_ =	sdelay $0x3  }
0xcb: {  	[tilespmem:v3+s11+$0x0] =	vst.idx.msk $0xffff, v2  }
0xcc: {  	v3 =	vor.u32 $0x403, v1;
	v2 =	vld.idx.msk [tilespmem:v63+s9+$0x0], $0xffff  }
0xcd: {  	v63 =	vor.u32 $0x804, v0;
	_ =	sdelay $0x3  }
0xce: {  	[tilespmem:v3+s11+$0x0] =	vst.idx.msk $0xffff, v2  }
0xcf: {  	v3 =	vor.u32 $0x404, v1;
	v2 =	vld.idx.msk [tilespmem:v63+s9+$0x0], $0xffff  }
0xd0: {  	v63 =	vor.u32 $0x805, v0;
	_ =	sdelay $0x3  }
0xd1: {  	[tilespmem:v3+s11+$0x0] =	vst.idx.msk $0xffff, v2  }
0xd2: {  	v3 =	vor.u32 $0x405, v1;
	v2 =	vld.idx.msk [tilespmem:v63+s9+$0x0], $0xffff  }
0xd3: {  	v63 =	vor.u32 $0x806, v0;
	_ =	sdelay $0x3  }
0xd4: {  	[tilespmem:v3+s11+$0x0] =	vst.idx.msk $0xffff, v2  }
0xd5: {  	v3 =	vor.u32 $0x406, v1;
	v2 =	vld.idx.msk [tilespmem:v63+s9+$0x0], $0xffff  }
0xd6: {  	v63 =	vor.u32 $0x807, v0;
	_ =	sdelay $0x3  }
0xd7: {  	[tilespmem:v3+s11+$0x0] =	vst.idx.msk $0xffff, v2  }
0xd8: {  	v3 =	vor.u32 $0x407, v1;
	v2 =	vld.idx.msk [tilespmem:v63+s9+$0x0], $0xffff  }
0xd9: {  	v63 =	vor.u32 $0x808, v0;
	_ =	sdelay $0x3  }
0xda: {  	[tilespmem:v3+s11+$0x0] =	vst.idx.msk $0xffff, v2  }
0xdb: {  	v3 =	vor.u32 $0x408, v1;
	v2 =	vld.idx.msk [tilespmem:v63+s9+$0x0], $0xffff  }
0xdc: {  	v63 =	vor.u32 $0x809, v0;
	_ =	sdelay $0x3  }
0xdd: {  	[tilespmem:v3+s11+$0x0] =	vst.idx.msk $0xffff, v2  }
0xde: {  	v3 =	vor.u32 $0x409, v1;
	v2 =	vld.idx.msk [tilespmem:v63+s9+$0x0], $0xffff  }
0xdf: {  	v63 =	vor.u32 $0x80A, v0;
	_ =	sdelay $0x3  }
0xe0: {  	[tilespmem:v3+s11+$0x0] =	vst.idx.msk $0xffff, v2  }
0xe1: {  	v3 =	vor.u32 $0x40A, v1;
	v2 =	vld.idx.msk [tilespmem:v63+s9+$0x0], $0xffff  }
0xe2: {  	v63 =	vor.u32 $0x80B, v0;
	_ =	sdelay $0x3  }
0xe3: {  	[tilespmem:v3+s11+$0x0] =	vst.idx.msk $0xffff, v2  }
0xe4: {  	v3 =	vor.u32 $0x40B, v1;
	v2 =	vld.idx.msk [tilespmem:v63+s9+$0x0], $0xffff  }
0xe5: {  	v63 =	vor.u32 $0x80C, v0;
	_ =	sdelay $0x3  }
0xe6: {  	[tilespmem:v3+s11+$0x0] =	vst.idx.msk $0xffff, v2  }
0xe7: {  	v3 =	vor.u32 $0x40C, v1;
	v2 =	vld.idx.msk [tilespmem:v63+s9+$0x0], $0xffff  }
0xe8: {  	v63 =	vor.u32 $0x80D, v0;
	_ =	sdelay $0x3  }
0xe9: {  	[tilespmem:v3+s11+$0x0] =	vst.idx.msk $0xffff, v2  }
0xea: {  	v3 =	vor.u32 $0x40D, v1;
	v2 =	vld.idx.msk [tilespmem:v63+s9+$0x0], $0xffff  }
0xeb: {  	v63 =	vor.u32 $0x80E, v0;
	_ =	sdelay $0x3  }
0xec: {  	[tilespmem:v3+s11+$0x0] =	vst.idx.msk $0xffff, v2  }
0xed: {  	v3 =	vor.u32 $0x40E, v1;
	v2 =	vld.idx.msk [tilespmem:v63+s9+$0x0], $0xffff  }
0xee: {  	v63 =	vor.u32 $0x80F, v0;
	_ =	sdelay $0x3  }
0xef: {  	[tilespmem:v3+s11+$0x0] =	vst.idx.msk $0xffff, v2  }
0xf0: {  	v3 =	vor.u32 $0x40F, v1;
	v2 =	vld.idx.msk [tilespmem:v63+s9+$0x0], $0xffff  }
0xf1: {  	v63 =	vor.u32 $0x810, v0;
	_ =	sdelay $0x3  }
0xf2: {  	[tilespmem:v3+s11+$0x0] =	vst.idx.msk $0xffff, v2  }
0xf3: {  	v3 =	vor.u32 $0x410, v1;
	v2 =	vld.idx.msk [tilespmem:v63+s9+$0x0], $0xffff  }
0xf4: {  	v63 =	vor.u32 $0x811, v0;
	_ =	sdelay $0x3  }
0xf5: {  	[tilespmem:v3+s11+$0x0] =	vst.idx.msk $0xffff, v2  }
0xf6: {  	v3 =	vor.u32 $0x411, v1;
	v2 =	vld.idx.msk [tilespmem:v63+s9+$0x0], $0xffff  }
0xf7: {  	v63 =	vor.u32 $0x812, v0;
	_ =	sdelay $0x3  }
0xf8: {  	[tilespmem:v3+s11+$0x0] =	vst.idx.msk $0xffff, v2  }
0xf9: {  	v3 =	vor.u32 $0x412, v1;
	v2 =	vld.idx.msk [tilespmem:v63+s9+$0x0], $0xffff  }
0xfa: {  	v63 =	vor.u32 $0x813, v0;
	_ =	sdelay $0x3  }
0xfb: {  	[tilespmem:v3+s11+$0x0] =	vst.idx.msk $0xffff, v2  }
0xfc: {  	v3 =	vor.u32 $0x413, v1;
	v2 =	vld.idx.msk [tilespmem:v63+s9+$0x0], $0xffff  }
0xfd: {  	v63 =	vor.u32 $0x814, v0;
	_ =	sdelay $0x3  }
0xfe: {  	[tilespmem:v3+s11+$0x0] =	vst.idx.msk $0xffff, v2  }
0xff: {  	v3 =	vor.u32 $0x414, v1;
	v2 =	vld.idx.msk [tilespmem:v63+s9+$0x0], $0xffff  }
0x100: {  	v63 =	vor.u32 $0x815, v0;
	_ =	sdelay $0x3  }
0x101: {  	[tilespmem:v3+s11+$0x0] =	vst.idx.msk $0xffff, v2  }
0x102: {  	v3 =	vor.u32 $0x415, v1;
	v2 =	vld.idx.msk [tilespmem:v63+s9+$0x0], $0xffff  }
0x103: {  	v63 =	vor.u32 $0x816, v0;
	_ =	sdelay $0x3  }
0x104: {  	[tilespmem:v3+s11+$0x0] =	vst.idx.msk $0xffff, v2  }
0x105: {  	v3 =	vor.u32 $0x416, v1;
	v2 =	vld.idx.msk [tilespmem:v63+s9+$0x0], $0xffff  }
0x106: {  	v63 =	vor.u32 $0x817, v0;
	_ =	sdelay $0x3  }
0x107: {  	[tilespmem:v3+s11+$0x0] =	vst.idx.msk $0xffff, v2  }
0x108: {  	v3 =	vor.u32 $0x417, v1;
	v2 =	vld.idx.msk [tilespmem:v63+s9+$0x0], $0xffff  }
0x109: {  	v63 =	vor.u32 $0x818, v0;
	_ =	sdelay $0x3  }
0x10a: {  	[tilespmem:v3+s11+$0x0] =	vst.idx.msk $0xffff, v2  }
0x10b: {  	v3 =	vor.u32 $0x418, v1;
	v2 =	vld.idx.msk [tilespmem:v63+s9+$0x0], $0xffff  }
0x10c: {  	v63 =	vor.u32 $0x819, v0;
	_ =	sdelay $0x3  }
0x10d: {  	[tilespmem:v3+s11+$0x0] =	vst.idx.msk $0xffff, v2  }
0x10e: {  	v3 =	vor.u32 $0x419, v1;
	v2 =	vld.idx.msk [tilespmem:v63+s9+$0x0], $0xffff  }
0x10f: {  	v63 =	vor.u32 $0x81A, v0;
	_ =	sdelay $0x3  }
0x110: {  	[tilespmem:v3+s11+$0x0] =	vst.idx.msk $0xffff, v2  }
0x111: {  	v3 =	vor.u32 $0x41A, v1;
	v2 =	vld.idx.msk [tilespmem:v63+s9+$0x0], $0xffff  }
0x112: {  	v63 =	vor.u32 $0x81B, v0;
	_ =	sdelay $0x3  }
0x113: {  	[tilespmem:v3+s11+$0x0] =	vst.idx.msk $0xffff, v2  }
0x114: {  	v3 =	vor.u32 $0x41B, v1;
	v2 =	vld.idx.msk [tilespmem:v63+s9+$0x0], $0xffff  }
0x115: {  	v63 =	vor.u32 $0x81C, v0;
	_ =	sdelay $0x3  }
0x116: {  	[tilespmem:v3+s11+$0x0] =	vst.idx.msk $0xffff, v2  }
0x117: {  	v3 =	vor.u32 $0x41C, v1;
	v2 =	vld.idx.msk [tilespmem:v63+s9+$0x0], $0xffff  }
0x118: {  	v63 =	vor.u32 $0x81D, v0;
	_ =	sdelay $0x3  }
0x119: {  	[tilespmem:v3+s11+$0x0] =	vst.idx.msk $0xffff, v2  }
0x11a: {  	v3 =	vor.u32 $0x41D, v1;
	v2 =	vld.idx.msk [tilespmem:v63+s9+$0x0], $0xffff  }
0x11b: {  	v63 =	vor.u32 $0x81E, v0;
	_ =	sdelay $0x3  }
0x11c: {  	[tilespmem:v3+s11+$0x0] =	vst.idx.msk $0xffff, v2  }
0x11d: {  	v3 =	vor.u32 $0x41E, v1;
	v2 =	vld.idx.msk [tilespmem:v63+s9+$0x0], $0xffff  }
0x11e: {  	v63 =	vor.u32 $0x81F, v0;
	_ =	sdelay $0x3  }
0x11f: {  	[tilespmem:v3+s11+$0x0] =	vst.idx.msk $0xffff, v2  }
0x120: {  	v3 =	vor.u32 $0x41F, v1;
	v2 =	vld.idx.msk [tilespmem:v63+s9+$0x0], $0xffff  }
0x121: {  	v63 =	vor.u32 $0x820, v0;
	_ =	sdelay $0x3  }
0x122: {  	[tilespmem:v3+s11+$0x0] =	vst.idx.msk $0xffff, v2  }
0x123: {  	v3 =	vor.u32 $0x420, v1;
	v2 =	vld.idx.msk [tilespmem:v63+s9+$0x0], $0xffff  }
0x124: {  	v63 =	vor.u32 $0x821, v0;
	_ =	sdelay $0x3  }
0x125: {  	[tilespmem:v3+s11+$0x0] =	vst.idx.msk $0xffff, v2  }
0x126: {  	v3 =	vor.u32 $0x421, v1;
	v2 =	vld.idx.msk [tilespmem:v63+s9+$0x0], $0xffff  }
0x127: {  	v63 =	vor.u32 $0x822, v0;
	_ =	sdelay $0x3  }
0x128: {  	[tilespmem:v3+s11+$0x0] =	vst.idx.msk $0xffff, v2  }
0x129: {  	v3 =	vor.u32 $0x422, v1;
	v2 =	vld.idx.msk [tilespmem:v63+s9+$0x0], $0xffff  }
0x12a: {  	v63 =	vor.u32 $0x823, v0;
	_ =	sdelay $0x3  }
0x12b: {  	[tilespmem:v3+s11+$0x0] =	vst.idx.msk $0xffff, v2  }
0x12c: {  	v3 =	vor.u32 $0x423, v1;
	v2 =	vld.idx.msk [tilespmem:v63+s9+$0x0], $0xffff  }
0x12d: {  	v63 =	vor.u32 $0x824, v0;
	_ =	sdelay $0x3  }
0x12e: {  	[tilespmem:v3+s11+$0x0] =	vst.idx.msk $0xffff, v2  }
0x12f: {  	v3 =	vor.u32 $0x424, v1;
	v2 =	vld.idx.msk [tilespmem:v63+s9+$0x0], $0xffff  }
0x130: {  	v63 =	vor.u32 $0x825, v0;
	_ =	sdelay $0x3  }
0x131: {  	[tilespmem:v3+s11+$0x0] =	vst.idx.msk $0xffff, v2  }
0x132: {  	v3 =	vor.u32 $0x425, v1;
	v2 =	vld.idx.msk [tilespmem:v63+s9+$0x0], $0xffff  }
0x133: {  	v63 =	vor.u32 $0x826, v0;
	_ =	sdelay $0x3  }
0x134: {  	[tilespmem:v3+s11+$0x0] =	vst.idx.msk $0xffff, v2  }
0x135: {  	v3 =	vor.u32 $0x426, v1;
	v2 =	vld.idx.msk [tilespmem:v63+s9+$0x0], $0xffff  }
0x136: {  	v63 =	vor.u32 $0x827, v0;
	_ =	sdelay $0x3  }
0x137: {  	[tilespmem:v3+s11+$0x0] =	vst.idx.msk $0xffff, v2  }
0x138: {  	v3 =	vor.u32 $0x427, v1;
	v2 =	vld.idx.msk [tilespmem:v63+s9+$0x0], $0xffff  }
0x139: {  	v63 =	vor.u32 $0x828, v0;
	_ =	sdelay $0x3  }
0x13a: {  	[tilespmem:v3+s11+$0x0] =	vst.idx.msk $0xffff, v2  }
0x13b: {  	v3 =	vor.u32 $0x428, v1;
	v2 =	vld.idx.msk [tilespmem:v63+s9+$0x0], $0xffff  }
0x13c: {  	v63 =	vor.u32 $0x829, v0;
	_ =	sdelay $0x3  }
0x13d: {  	[tilespmem:v3+s11+$0x0] =	vst.idx.msk $0xffff, v2  }
0x13e: {  	v3 =	vor.u32 $0x429, v1;
	v2 =	vld.idx.msk [tilespmem:v63+s9+$0x0], $0xffff  }
0x13f: {  	v63 =	vor.u32 $0x82A, v0;
	_ =	sdelay $0x3  }
0x140: {  	[tilespmem:v3+s11+$0x0] =	vst.idx.msk $0xffff, v2  }
0x141: {  	v3 =	vor.u32 $0x42A, v1;
	v2 =	vld.idx.msk [tilespmem:v63+s9+$0x0], $0xffff  }
0x142: {  	v63 =	vor.u32 $0x82B, v0;
	_ =	sdelay $0x3  }
0x143: {  	[tilespmem:v3+s11+$0x0] =	vst.idx.msk $0xffff, v2  }
0x144: {  	v3 =	vor.u32 $0x42B, v1;
	v2 =	vld.idx.msk [tilespmem:v63+s9+$0x0], $0xffff  }
0x145: {  	v63 =	vor.u32 $0x82C, v0;
	_ =	sdelay $0x3  }
0x146: {  	[tilespmem:v3+s11+$0x0] =	vst.idx.msk $0xffff, v2  }
0x147: {  	v3 =	vor.u32 $0x42C, v1;
	v2 =	vld.idx.msk [tilespmem:v63+s9+$0x0], $0xffff  }
0x148: {  	v63 =	vor.u32 $0x82D, v0;
	_ =	sdelay $0x3  }
0x149: {  	[tilespmem:v3+s11+$0x0] =	vst.idx.msk $0xffff, v2  }
0x14a: {  	v3 =	vor.u32 $0x42D, v1;
	v2 =	vld.idx.msk [tilespmem:v63+s9+$0x0], $0xffff  }
0x14b: {  	v63 =	vor.u32 $0x82E, v0;
	_ =	sdelay $0x3  }
0x14c: {  	[tilespmem:v3+s11+$0x0] =	vst.idx.msk $0xffff, v2  }
0x14d: {  	v3 =	vor.u32 $0x42E, v1;
	v2 =	vld.idx.msk [tilespmem:v63+s9+$0x0], $0xffff  }
0x14e: {  	v63 =	vor.u32 $0x82F, v0;
	_ =	sdelay $0x3  }
0x14f: {  	[tilespmem:v3+s11+$0x0] =	vst.idx.msk $0xffff, v2  }
0x150: {  	v3 =	vor.u32 $0x42F, v1;
	v2 =	vld.idx.msk [tilespmem:v63+s9+$0x0], $0xffff  }
0x151: {  	v63 =	vor.u32 $0x830, v0;
	_ =	sdelay $0x3  }
0x152: {  	[tilespmem:v3+s11+$0x0] =	vst.idx.msk $0xffff, v2  }
0x153: {  	v3 =	vor.u32 $0x430, v1;
	v2 =	vld.idx.msk [tilespmem:v63+s9+$0x0], $0xffff  }
0x154: {  	v63 =	vor.u32 $0x831, v0;
	_ =	sdelay $0x3  }
0x155: {  	[tilespmem:v3+s11+$0x0] =	vst.idx.msk $0xffff, v2  }
0x156: {  	v3 =	vor.u32 $0x431, v1;
	v2 =	vld.idx.msk [tilespmem:v63+s9+$0x0], $0xffff  }
0x157: {  	v63 =	vor.u32 $0x832, v0;
	_ =	sdelay $0x3  }
0x158: {  	[tilespmem:v3+s11+$0x0] =	vst.idx.msk $0xffff, v2  }
0x159: {  	v3 =	vor.u32 $0x432, v1;
	v2 =	vld.idx.msk [tilespmem:v63+s9+$0x0], $0xffff  }
0x15a: {  	v63 =	vor.u32 $0x833, v0;
	_ =	sdelay $0x3  }
0x15b: {  	[tilespmem:v3+s11+$0x0] =	vst.idx.msk $0xffff, v2  }
0x15c: {  	v3 =	vor.u32 $0x433, v1;
	v2 =	vld.idx.msk [tilespmem:v63+s9+$0x0], $0xffff  }
0x15d: {  	v63 =	vor.u32 $0x834, v0;
	_ =	sdelay $0x3  }
0x15e: {  	[tilespmem:v3+s11+$0x0] =	vst.idx.msk $0xffff, v2  }
0x15f: {  	v3 =	vor.u32 $0x434, v1;
	v2 =	vld.idx.msk [tilespmem:v63+s9+$0x0], $0xffff  }
0x160: {  	v63 =	vor.u32 $0x835, v0;
	_ =	sdelay $0x3  }
0x161: {  	[tilespmem:v3+s11+$0x0] =	vst.idx.msk $0xffff, v2  }
0x162: {  	v3 =	vor.u32 $0x435, v1;
	v2 =	vld.idx.msk [tilespmem:v63+s9+$0x0], $0xffff  }
0x163: {  	v63 =	vor.u32 $0x836, v0;
	_ =	sdelay $0x3  }
0x164: {  	[tilespmem:v3+s11+$0x0] =	vst.idx.msk $0xffff, v2  }
0x165: {  	v3 =	vor.u32 $0x436, v1;
	v2 =	vld.idx.msk [tilespmem:v63+s9+$0x0], $0xffff  }
0x166: {  	v63 =	vor.u32 $0x837, v0;
	_ =	sdelay $0x3  }
0x167: {  	[tilespmem:v3+s11+$0x0] =	vst.idx.msk $0xffff, v2  }
0x168: {  	v3 =	vor.u32 $0x437, v1;
	v2 =	vld.idx.msk [tilespmem:v63+s9+$0x0], $0xffff  }
0x169: {  	v63 =	vor.u32 $0x838, v0;
	_ =	sdelay $0x3  }
0x16a: {  	[tilespmem:v3+s11+$0x0] =	vst.idx.msk $0xffff, v2  }
0x16b: {  	v3 =	vor.u32 $0x438, v1;
	v2 =	vld.idx.msk [tilespmem:v63+s9+$0x0], $0xffff  }
0x16c: {  	v63 =	vor.u32 $0x839, v0;
	_ =	sdelay $0x3  }
0x16d: {  	[tilespmem:v3+s11+$0x0] =	vst.idx.msk $0xffff, v2  }
0x16e: {  	v3 =	vor.u32 $0x439, v1;
	v2 =	vld.idx.msk [tilespmem:v63+s9+$0x0], $0xffff  }
0x16f: {  	v63 =	vor.u32 $0x83A, v0;
	_ =	sdelay $0x3  }
0x170: {  	[tilespmem:v3+s11+$0x0] =	vst.idx.msk $0xffff, v2  }
0x171: {  	v3 =	vor.u32 $0x43A, v1;
	v2 =	vld.idx.msk [tilespmem:v63+s9+$0x0], $0xffff  }
0x172: {  	v63 =	vor.u32 $0x83B, v0;
	_ =	sdelay $0x3  }
0x173: {  	[tilespmem:v3+s11+$0x0] =	vst.idx.msk $0xffff, v2  }
0x174: {  	v3 =	vor.u32 $0x43B, v1;
	v2 =	vld.idx.msk [tilespmem:v63+s9+$0x0], $0xffff  }
0x175: {  	v63 =	vor.u32 $0x83C, v0;
	_ =	sdelay $0x3  }
0x176: {  	[tilespmem:v3+s11+$0x0] =	vst.idx.msk $0xffff, v2  }
0x177: {  	v3 =	vor.u32 $0x43C, v1;
	v2 =	vld.idx.msk [tilespmem:v63+s9+$0x0], $0xffff  }
0x178: {  	v63 =	vor.u32 $0x83D, v0;
	_ =	sdelay $0x3  }
0x179: {  	[tilespmem:v3+s11+$0x0] =	vst.idx.msk $0xffff, v2  }
0x17a: {  	v3 =	vor.u32 $0x43D, v1;
	v2 =	vld.idx.msk [tilespmem:v63+s9+$0x0], $0xffff  }
0x17b: {  	v63 =	vor.u32 $0x83E, v0;
	_ =	sdelay $0x3  }
0x17c: {  	[tilespmem:v3+s11+$0x0] =	vst.idx.msk $0xffff, v2  }
0x17d: {  	v3 =	vor.u32 $0x43E, v1;
	v2 =	vld.idx.msk [tilespmem:v63+s9+$0x0], $0xffff  }
0x17e: {  	v63 =	vor.u32 $0x83F, v0;
	_ =	sdelay $0x3  }
0x17f: {  	[tilespmem:v3+s11+$0x0] =	vst.idx.msk $0xffff, v2  }
0x180: {  	v3 =	vor.u32 $0x43F, v1;
	v2 =	vld.idx.msk [tilespmem:v63+s9+$0x0], $0xffff;
	_ =	sdelay $0x3  }
0x181: {  	p0 =	sne.s32 s6, $0x1  }
.Ltmp0:
0x182: {  	[tilespmem:v3+s11+$0x0] =	vst.idx.msk $0xffff, v2;
	(pc) =	sbr.rel @p0 .LBB2_1-.Ltmp0, $4  }
0x183: {  	[hbm4b:s5+s1] =	stream.linear.scatter [tilespmem:s11], [sflag:$0x2], $0x800, $0x38;
	[tilespmem:$0x1880] =	vst v63  }
0x184: {  	_ =	swait.ge [sflag:s7], $0x800  }
0x185: {  	[sflag:s7] =	ssyncset.done $0x0  }
0x186: {  	s6 =	sadd.s32 $0xFFFFFFFF, s6;
	[sflag:s7] =	ssyncadd.s32 $0xFFFFF800  }
0x187: {  	_ =	sfence.sel $0x180000  }
0x188: {  	[bflag:$0x0] =	sbarrier.arrive $0xFFFF  }
0x189: {  	p0 =	sne.s32 s2, $0x0;
	_ =	strace $0x90000047  }
0x18a: {  	s0 =	sadd.s32 @!p0 $0x100000, s0;
	[bflag:$0x2] =	sbarrier.arrive $0xFFFF  }
0x18b: {  	[sflag:s0] =	ssyncadd.tile.s32 @!p0 $0x1;
	_ =	shalt  }
.Lfunc_end2:
_tile_overlayer_lowered:
.L_overlay_start_2:
0x18c: {  	(tag) =	ssettag $0x2  }
0x18d: {  	s0 =	rddreg [dreg:$0x0];
	s2 =	stileid.u32  }
0x18e: {  	s1 =	rddreg [dreg:$0x1];
	p0 =	sne.s32 s2, $0x0  }
0x18f: {  	s3 =	rddreg [dreg:$0x2];
	[bflag:$0x3] =	sbarrier.arrive $0xFFFF;
	s2 =	simm.s32 @!p0 $0x1C02  }
0x190: {  	[timem:s3], [sflag:s2] =	dma.local @!p0 [hbm:s0], s1  }
0x191: {  	s0 =	simm.s32 @!p0 $0x2  }
0x192: {  	_ =	swait.ge @!p0 [sflag:s0], s1  }
0x193: {  	s1 =	ssub.s32 @!p0 $0x0, s1;
	[sflag:s0] =	ssyncset.done @!p0 $0x0  }
0x194: {  	[sflag:s0] =	ssyncadd.s32 @!p0 s1  }
0x195: {  	[bflag:$0x3] =	sbarrier.arrive $0xFFFF  }
0x196: {  	_ =	shalt  }

</sc_bundles>
